<compile_context>
chip_gen: v7x
topology: tpu7x:2x2x1
jax: 0.10.2.dev20260603
libtpu: 0.0.44.dev20260713+nightly
codegen_flags: <defaults>
</compile_context>

<pallas_src>
import functools

import jax
import jax.numpy as jnp
from jax import lax
from jax.experimental import pallas as pl
from jax.experimental.pallas import tpu as pltpu
from jax.experimental.pallas import tpu_sc as plsc

N = 10000
NPAD = 10112
ROWS_PER_TILE = NPAD // 16
NC = 2
NS = 16
LANES = 16
CHUNK = 128
F32 = jnp.float32
DEGW = 128

_HIGH = lax.Precision.HIGHEST


@functools.lru_cache(maxsize=1)
def _sc_mesh():
  return plsc.VectorSubcoreMesh(core_axis_name="c", subcore_axis_name="s")



def _sc_scatter_body(chunks_per_tile, epad, y_hbm, row_hbm, col_hbm, z_hbm,
                     out_hbm, row_v0, row_v1, col_va, col_vb, rows_a, rows_b,
                     tab, gsem):
  c = lax.axis_index("c")
  s = lax.axis_index("s")
  r0 = s * ROWS_PER_TILE
  pltpu.sync_copy(z_hbm.at[pl.ds(r0, ROWS_PER_TILE)],
                  tab.at[pl.ds(r0, ROWS_PER_TILE)])
  plsc.subcore_barrier()

  base = s * chunks_per_tile * CHUNK
  rbase = c * epad + base

  pltpu.sync_copy(row_hbm.at[pl.ds(rbase, CHUNK)], row_v0)
  pltpu.async_copy(y_hbm.at[row_v0], rows_a, gsem)
  pltpu.sync_copy(col_hbm.at[pl.ds(base, CHUNK)], col_va)
  pltpu.sync_copy(row_hbm.at[pl.ds(rbase + CHUNK, CHUNK)], row_v1)

  @pl.loop(0, chunks_per_tile // 2)
  def _(g):
    off = base + 2 * g * CHUNK
    roff = rbase + 2 * g * CHUNK
    pltpu.make_async_copy(y_hbm.at[row_v0], rows_a, gsem).wait()
    d = pltpu.async_copy(y_hbm.at[row_v1], rows_b, gsem)
    pltpu.sync_copy(rows_a, tab.at[col_va], add=True)
    pltpu.sync_copy(col_hbm.at[pl.ds(off + CHUNK, CHUNK)], col_vb)
    pltpu.sync_copy(row_hbm.at[pl.ds(roff + 2 * CHUNK, CHUNK)], row_v0)
    d.wait()
    pltpu.async_copy(y_hbm.at[row_v0], rows_a, gsem)
    pltpu.sync_copy(rows_b, tab.at[col_vb], add=True)
    pltpu.sync_copy(col_hbm.at[pl.ds(off + 2 * CHUNK, CHUNK)], col_va)
    pltpu.sync_copy(row_hbm.at[pl.ds(roff + 3 * CHUNK, CHUNK)], row_v1)

  pltpu.make_async_copy(y_hbm.at[row_v0], rows_a, gsem).wait()

  plsc.subcore_barrier()
  pltpu.sync_copy(tab.at[pl.ds(r0, ROWS_PER_TILE)],
                  out_hbm.at[c, pl.ds(r0, ROWS_PER_TILE)])


def _sc_scatter(y2, row2d, col2d, z128):
  epad = col2d.shape[0] - 2 * CHUNK
  chunks_per_tile = epad // (NS * CHUNK)
  body = functools.partial(_sc_scatter_body, chunks_per_tile, epad)
  return pl.kernel(
      body,
      out_type=jax.ShapeDtypeStruct((NC, NPAD, 128), F32),
      mesh=_sc_mesh(),
      scratch_types=[
          pltpu.VMEM((CHUNK,), jnp.int32),
          pltpu.VMEM((CHUNK,), jnp.int32),
          pltpu.VMEM((CHUNK,), jnp.int32),
          pltpu.VMEM((CHUNK,), jnp.int32),
          pltpu.VMEM((CHUNK, 128), F32),
          pltpu.VMEM((CHUNK, 128), F32),
          pltpu.VMEM_SHARED((NPAD, 128), F32),
          pltpu.SemaphoreType.DMA,
      ],
      name="gcn_edge_scatter",
  )(y2, row2d, col2d, z128)


def _sc_degree_body(chunks_per_tile, col_hbm, ones_hbm, z_hbm, out_hbm,
                    ones_v, col_v, tab):
  c = lax.axis_index("c")
  s = lax.axis_index("s")
  r0 = s * ROWS_PER_TILE
  pltpu.sync_copy(z_hbm.at[pl.ds(r0, ROWS_PER_TILE)],
                  tab.at[pl.ds(r0, ROWS_PER_TILE)])
  pltpu.sync_copy(ones_hbm, ones_v)
  plsc.subcore_barrier()

  base = (c * NS + s) * chunks_per_tile * CHUNK

  @pl.loop(0, chunks_per_tile)
  def _(j):
    pltpu.sync_copy(col_hbm.at[pl.ds(base + j * CHUNK, CHUNK)], col_v)
    pltpu.sync_copy(ones_v, tab.at[col_v], add=True)

  plsc.subcore_barrier()
  pltpu.sync_copy(tab.at[pl.ds(r0, ROWS_PER_TILE)],
                  out_hbm.at[c, pl.ds(r0, ROWS_PER_TILE)])


def _sc_degree(colp, onesp, zdeg):
  epad = colp.shape[0]
  chunks_per_tile = epad // (NC * NS * CHUNK)
  body = functools.partial(_sc_degree_body, chunks_per_tile)
  return pl.kernel(
      body,
      out_type=jax.ShapeDtypeStruct((NC, NPAD, DEGW), F32),
      mesh=_sc_mesh(),
      scratch_types=[
          pltpu.VMEM((CHUNK, DEGW), F32),
          pltpu.VMEM((CHUNK,), jnp.int32),
          pltpu.VMEM_SHARED((NPAD, DEGW), F32),
      ],
      name="gcn_degree",
  )(colp, onesp, zdeg)



def _tc1_body(x_ref, w_ref, d0_ref, d1_ref, o_ref):
  dis = lax.rsqrt(d0_ref[...] + d1_ref[...] + 1.0)
  y = jnp.dot(x_ref[...], w_ref[...], preferred_element_type=F32,
              precision=_HIGH) * dis
  o_ref[0] = y[:, :128]
  o_ref[1] = y[:, 128:]


def _tc1(x, W1, d0, d1):
  bm = 2000
  grid = N // bm
  return pl.pallas_call(
      _tc1_body,
      grid=(grid,),
      in_specs=[
          pl.BlockSpec((bm, 128), lambda i: (i, 0)),
          pl.BlockSpec((128, 256), lambda i: (0, 0)),
          pl.BlockSpec((bm, 1), lambda i: (i, 0)),
          pl.BlockSpec((bm, 1), lambda i: (i, 0)),
      ],
      out_specs=pl.BlockSpec((2, bm, 128), lambda i: (0, i, 0)),
      out_shape=jax.ShapeDtypeStruct((2, N, 128), F32),
      name="gcn_tc1",
  )(x, W1, d0, d1)


def _tcmid_body(sa_ref, sb_ref, ya_ref, yb_ref, d0_ref, d1_ref, b_ref, w_ref,
                o_ref):
  dis = lax.rsqrt(d0_ref[...] + d1_ref[...] + 1.0)
  sy = jnp.concatenate([sa_ref[...] + ya_ref[...], sb_ref[...] + yb_ref[...]],
                       axis=1)
  h = jnp.maximum(dis * sy + b_ref[...], 0.0)
  y = jnp.dot(h, w_ref[...], preferred_element_type=F32,
              precision=_HIGH) * dis
  o_ref[0] = y[:, :128]
  o_ref[1] = y[:, 128:]


def _tcmid(sa, sb, ya, yb, d0, d1, b, W):
  bm = 2000
  grid = N // bm
  return pl.pallas_call(
      _tcmid_body,
      grid=(grid,),
      in_specs=[
          pl.BlockSpec((bm, 128), lambda i: (i, 0)),
          pl.BlockSpec((bm, 128), lambda i: (i, 0)),
          pl.BlockSpec((bm, 128), lambda i: (i, 0)),
          pl.BlockSpec((bm, 128), lambda i: (i, 0)),
          pl.BlockSpec((bm, 1), lambda i: (i, 0)),
          pl.BlockSpec((bm, 1), lambda i: (i, 0)),
          pl.BlockSpec((1, 256), lambda i: (0, 0)),
          pl.BlockSpec((256, 256), lambda i: (0, 0)),
      ],
      out_specs=pl.BlockSpec((2, bm, 128), lambda i: (0, i, 0)),
      out_shape=jax.ShapeDtypeStruct((2, N, 128), F32),
      name="gcn_tcmid",
  )(sa, sb, ya, yb, d0, d1, b, W)


def _tcfin_body(sa_ref, sb_ref, ya_ref, yb_ref, d0_ref, d1_ref, b_ref,
                batch_ref, wl_ref, bl_ref, o_ref):
  dis = lax.rsqrt(d0_ref[...] + d1_ref[...] + 1.0)
  sy = jnp.concatenate([sa_ref[...] + ya_ref[...], sb_ref[...] + yb_ref[...]],
                       axis=1)
  h = jnp.maximum(dis * sy + b_ref[...], 0.0)
  gids = lax.broadcasted_iota(jnp.int32, (N, 64), 1)
  oh = (batch_ref[...] == gids).astype(F32)
  sums = lax.dot_general(oh, h, (((0,), (0,)), ((), ())),
                         preferred_element_type=F32, precision=_HIGH)
  cnt = jnp.sum(oh, axis=0)
  pooled = sums / jnp.maximum(cnt, 1.0)[:, None]
  o_ref[...] = jnp.dot(pooled, wl_ref[...], preferred_element_type=F32,
                       precision=_HIGH) + bl_ref[...]


def _tcfin(sa, sb, ya, yb, d0, d1, b, batch2d, Wl, bl):
  return pl.pallas_call(
      _tcfin_body,
      out_shape=jax.ShapeDtypeStruct((64, 128), F32),
      name="gcn_pool_linear",
  )(sa, sb, ya, yb, d0, d1, b, batch2d, Wl, bl)



@jax.jit
def kernel(x, edge_index, batch, W1, b1, W2, b2, W3, b3, Wl, bl):
  row = edge_index[0]
  col = edge_index[1]
  e = row.shape[0]
  unit = NC * NS * CHUNK
  epad = ((e + unit - 1) // unit) * unit
  rowp = jnp.concatenate([row, jnp.zeros((epad - e,), jnp.int32)])
  colp = jnp.concatenate([col, jnp.full((epad - e,), N, jnp.int32)])
  row2d = jnp.concatenate([rowp, rowp + N, jnp.zeros((2 * CHUNK,), jnp.int32)])
  col2d = jnp.concatenate([colp, jnp.full((2 * CHUNK,), N, jnp.int32)])

  z128 = jnp.zeros((NPAD, 128), F32)
  zdeg = jnp.zeros((NPAD, DEGW), F32)
  onesp = jnp.ones((CHUNK, DEGW), F32)

  deg2 = _sc_degree(colp, onesp, zdeg)
  d0 = deg2[0, :N, :1]
  d1 = deg2[1, :N, :1]

  y1 = _tc1(x, W1, d0, d1)
  s1 = _sc_scatter(y1.reshape(2 * N, 128), row2d, col2d, z128)
  y2 = _tcmid(s1[0, :N], s1[1, :N], y1[0], y1[1], d0, d1,
              b1.reshape(1, -1), W2)
  s2 = _sc_scatter(y2.reshape(2 * N, 128), row2d, col2d, z128)
  y3 = _tcmid(s2[0, :N], s2[1, :N], y2[0], y2[1], d0, d1,
              b2.reshape(1, -1), W3)
  s3 = _sc_scatter(y3.reshape(2 * N, 128), row2d, col2d, z128)
  return _tcfin(s3[0, :N], s3[1, :N], y3[0], y3[1], d0, d1,
                b3.reshape(1, -1), batch.reshape(-1, 1), Wl, bl.reshape(1, -1))

# --- scband reference (transcript-rebuilt; emitter-appended) ---
"""Pipeline reference for scband-simple-gnn-12326556139977 (READ-ONLY COPY).

The authoritative reference and input builder live on the scoring server;
editing this copy changes nothing except your own understanding.
"""

import jax, jax.numpy as jnp
import numpy as np

N = 10000
E = 320000
F_IN = 128
H = 256
C = 128
G = 64


def setup_inputs(seed: int = 0) -> dict:
    key = jax.random.key(seed)
    ks = jax.random.split(key, 12)
    x = jax.random.normal(ks[0], (N, F_IN), dtype=jnp.float32)
    edge_index = jax.random.randint(ks[1], (2, E), 0, N, dtype=jnp.int32)
    batch = jnp.sort(jax.random.randint(ks[2], (N,), 0, G, dtype=jnp.int32))
    W1 = jax.random.normal(ks[3], (F_IN, H), dtype=jnp.float32) * (1.0 / np.sqrt(F_IN))
    b1 = jnp.zeros((H,), dtype=jnp.float32)
    W2 = jax.random.normal(ks[4], (H, H), dtype=jnp.float32) * (1.0 / np.sqrt(H))
    b2 = jnp.zeros((H,), dtype=jnp.float32)
    W3 = jax.random.normal(ks[5], (H, H), dtype=jnp.float32) * (1.0 / np.sqrt(H))
    b3 = jnp.zeros((H,), dtype=jnp.float32)
    Wl = jax.random.normal(ks[6], (H, C), dtype=jnp.float32) * (1.0 / np.sqrt(H))
    bl = jnp.zeros((C,), dtype=jnp.float32)
    return {"x": x, "edge_index": edge_index, "batch": batch,
            "W1": W1, "b1": b1, "W2": W2, "b2": b2, "W3": W3, "b3": b3,
            "Wl": Wl, "bl": bl}


def gcn_conv(x, edge_index, W, b):
    # Faithful PyG GCNConv: linear transform, add self-loops, symmetric deg^-1/2 norm, scatter-add
    n = x.shape[0]
    loop = jnp.arange(n, dtype=edge_index.dtype)
    row = jnp.concatenate([edge_index[0], loop])
    col = jnp.concatenate([edge_index[1], loop])
    deg = jax.ops.segment_sum(jnp.ones(row.shape[0], dtype=x.dtype), col, num_segments=n)
    dis = jnp.where(deg > 0, jax.lax.rsqrt(jnp.maximum(deg, 1e-12)), 0.0)
    norm = dis[row] * dis[col]
    xw = x @ W
    msg = xw[row] * norm[:, None]
    out = jax.ops.segment_sum(msg, col, num_segments=n)
    return out + b


def reference(x, edge_index, batch, W1, b1, W2, b2, W3, b3, Wl, bl):
    h = jax.nn.relu(gcn_conv(x, edge_index, W1, b1))
    # dropout is identity in eval mode
    h = jax.nn.relu(gcn_conv(h, edge_index, W2, b2))
    h = jax.nn.relu(gcn_conv(h, edge_index, W3, b3))
    # global_mean_pool over batch assignment
    sums = jax.ops.segment_sum(h, batch, num_segments=G)
    cnt = jax.ops.segment_sum(jnp.ones((h.shape[0],), dtype=h.dtype), batch, num_segments=G)
    pooled = sums / jnp.maximum(cnt, 1.0)[:, None]
    return pooled @ Wl + bl

if __name__ == "__main__":
    import jax
    _d = setup_inputs()
    print(jax.jit(kernel)(*tuple(_d.values())))

</pallas_src>

<mosaic_0001>
#map = affine_map<(d0, d1) -> (0, 0)>
#map1 = affine_map<(d0, d1) -> (0)>
#map2 = affine_map<(d0, d1) -> (0, 0, 0)>
module attributes {stable_mosaic.version = 14 : i64} {
  func.func @gcn_edge_scatter(%arg0: i32, %arg1: i32, %arg2: memref<20000x128xf32, #tpu.memory_space<hbm>>, %arg3: memref<647424xi32, #tpu.memory_space<hbm>>, %arg4: memref<323840xi32, #tpu.memory_space<hbm>>, %arg5: memref<10112x128xf32, #tpu.memory_space<hbm>>, %arg6: memref<2x10112x128xf32, #tpu.memory_space<hbm>>, %arg7: memref<128xi32, #tpu.memory_space<vmem>>, %arg8: memref<128xi32, #tpu.memory_space<vmem>>, %arg9: memref<128xi32, #tpu.memory_space<vmem>>, %arg10: memref<128xi32, #tpu.memory_space<vmem>>, %arg11: memref<128x128xf32, #tpu.memory_space<vmem>>, %arg12: memref<128x128xf32, #tpu.memory_space<vmem>>, %arg13: memref<10112x128xf32, #tpu.memory_space<vmem_shared>>, %arg14: memref<!tpu.dma_semaphore, #tpu.memory_space<semaphore_mem>>) attributes {dimension_semantics = [#tpu.dimension_semantics<core_parallel>, #tpu.dimension_semantics<subcore_parallel>], iteration_bounds = array<i64: 2, 16>, scalar_prefetch = 0 : i64, scratch_operands = 8 : i64, tpu.core_type = #tpu.core_type<sc_vector_subcore>, window_params = [{transform_indices = #map}, {transform_indices = #map1}, {transform_indices = #map1}, {transform_indices = #map}, {transform_indices = #map2}]} {
    %mul3A = arith.constant 632 : i32
    %mul3A_0 = arith.muli %arg1, %mul3A : i32
    "tpu.region"() ({
      %run_scoped3A = tpu.sem_alloc : memref<!tpu.dma_semaphore, #tpu.memory_space<semaphore_mem>>
      %dma_start3A_18 = arith.constant 0 : i32
      %dma_start3A_19 = tpu.memref_slice %arg13[%mul3A_0, %dma_start3A_18] : memref<10112x128xf32, #tpu.memory_space<vmem_shared>> -> memref<632x128xf32, #tpu.memory_space<vmem_shared>>
      %dma_start3A_20 = arith.constant 0 : i32
      %dma_start3A_21 = tpu.memref_slice %arg5[%mul3A_0, %dma_start3A_20] : memref<10112x128xf32, #tpu.memory_space<hbm>> -> memref<632x128xf32, #tpu.memory_space<hbm>>
      tpu.enqueue_dma source(%dma_start3A_21 : memref<632x128xf32, #tpu.memory_space<hbm>>) target(%dma_start3A_19 : memref<632x128xf32, #tpu.memory_space<vmem_shared>>) target_semaphore(%run_scoped3A : memref<!tpu.dma_semaphore, #tpu.memory_space<semaphore_mem>>)
      %dma_wait3A_22 = arith.constant 0 : i32
      %dma_wait3A_23 = tpu.memref_slice %arg13[%mul3A_0, %dma_wait3A_22] : memref<10112x128xf32, #tpu.memory_space<vmem_shared>> -> memref<632x128xf32, #tpu.memory_space<vmem_shared>>
      %dma_wait3A_24 = arith.constant 0 : i32
      %dma_wait3A_25 = tpu.memref_slice %arg5[%mul3A_0, %dma_wait3A_24] : memref<10112x128xf32, #tpu.memory_space<hbm>> -> memref<632x128xf32, #tpu.memory_space<hbm>>
      tpu.wait_dma2 semaphore(%run_scoped3A : memref<!tpu.dma_semaphore, #tpu.memory_space<semaphore_mem>>) src(%dma_wait3A_25 : memref<632x128xf32, #tpu.memory_space<hbm>>) dst(%dma_wait3A_23 : memref<632x128xf32, #tpu.memory_space<vmem_shared>>)
      tpu.yield
    }) : () -> ()
    %barrier3A = arith.constant 0 : index
    tpu.barrier barrier_id(%barrier3A)
    %mul3A_1 = arith.constant 158 : i32
    %mul3A_2 = arith.muli %arg1, %mul3A_1 : i32
    %mul3A_3 = arith.constant 128 : i32
    %mul3A_4 = arith.muli %mul3A_2, %mul3A_3 : i32
    %mul3A_5 = arith.constant 323584 : i32
    %mul3A_6 = arith.muli %arg0, %mul3A_5 : i32
    %add3A = arith.addi %mul3A_6, %mul3A_4 : i32
    "tpu.region"() ({
      %run_scoped3A = tpu.sem_alloc : memref<!tpu.dma_semaphore, #tpu.memory_space<semaphore_mem>>
      %dma_start3A_18 = tpu.memref_slice %arg3[%add3A] : memref<647424xi32, #tpu.memory_space<hbm>> -> memref<128xi32, #tpu.memory_space<hbm>>
      %dma_start3A_19 = tpu.memref_slice %arg3[%add3A] : memref<647424xi32, #tpu.memory_space<hbm>> -> memref<128xi32, #tpu.memory_space<hbm>>
      tpu.enqueue_dma source(%dma_start3A_19 : memref<128xi32, #tpu.memory_space<hbm>>) target(%arg7 : memref<128xi32, #tpu.memory_space<vmem>>) target_semaphore(%run_scoped3A : memref<!tpu.dma_semaphore, #tpu.memory_space<semaphore_mem>>)
      %dma_wait3A_20 = tpu.memref_slice %arg3[%add3A] : memref<647424xi32, #tpu.memory_space<hbm>> -> memref<128xi32, #tpu.memory_space<hbm>>
      %dma_wait3A_21 = tpu.memref_slice %arg3[%add3A] : memref<647424xi32, #tpu.memory_space<hbm>> -> memref<128xi32, #tpu.memory_space<hbm>>
      tpu.wait_dma2 semaphore(%run_scoped3A : memref<!tpu.dma_semaphore, #tpu.memory_space<semaphore_mem>>) src(%dma_wait3A_21 : memref<128xi32, #tpu.memory_space<hbm>>) dst(%arg7 : memref<128xi32, #tpu.memory_space<vmem>>)
      tpu.yield
    }) : () -> ()
    %dma_start3A = arith.constant 0 : i32
    %dma_start3A_7 = arith.constant 0 : i32
    %dma_start3A_8 = tpu.memref_slice %arg2[%dma_start3A, %dma_start3A_7] : memref<20000x128xf32, #tpu.memory_space<hbm>> -> memref<20000x128xf32, #tpu.memory_space<hbm>>
    tpu.enqueue_indirect_dma source(%dma_start3A_8 : memref<20000x128xf32, #tpu.memory_space<hbm>>) target(%arg11 : memref<128x128xf32, #tpu.memory_space<vmem>>) offsets(%arg7 : memref<128xi32, #tpu.memory_space<vmem>>) semaphore(%arg14 : memref<!tpu.dma_semaphore, #tpu.memory_space<semaphore_mem>>)
    "tpu.region"() ({
      %run_scoped3A = tpu.sem_alloc : memref<!tpu.dma_semaphore, #tpu.memory_space<semaphore_mem>>
      %dma_start3A_18 = tpu.memref_slice %arg4[%mul3A_4] : memref<323840xi32, #tpu.memory_space<hbm>> -> memref<128xi32, #tpu.memory_space<hbm>>
      %dma_start3A_19 = tpu.memref_slice %arg4[%mul3A_4] : memref<323840xi32, #tpu.memory_space<hbm>> -> memref<128xi32, #tpu.memory_space<hbm>>
      tpu.enqueue_dma source(%dma_start3A_19 : memref<128xi32, #tpu.memory_space<hbm>>) target(%arg9 : memref<128xi32, #tpu.memory_space<vmem>>) target_semaphore(%run_scoped3A : memref<!tpu.dma_semaphore, #tpu.memory_space<semaphore_mem>>)
      %dma_wait3A_20 = tpu.memref_slice %arg4[%mul3A_4] : memref<323840xi32, #tpu.memory_space<hbm>> -> memref<128xi32, #tpu.memory_space<hbm>>
      %dma_wait3A_21 = tpu.memref_slice %arg4[%mul3A_4] : memref<323840xi32, #tpu.memory_space<hbm>> -> memref<128xi32, #tpu.memory_space<hbm>>
      tpu.wait_dma2 semaphore(%run_scoped3A : memref<!tpu.dma_semaphore, #tpu.memory_space<semaphore_mem>>) src(%dma_wait3A_21 : memref<128xi32, #tpu.memory_space<hbm>>) dst(%arg9 : memref<128xi32, #tpu.memory_space<vmem>>)
      tpu.yield
    }) : () -> ()
    %add3A_9 = arith.constant 128 : i32
    %add3A_10 = arith.addi %add3A, %add3A_9 : i32
    "tpu.region"() ({
      %run_scoped3A = tpu.sem_alloc : memref<!tpu.dma_semaphore, #tpu.memory_space<semaphore_mem>>
      %dma_start3A_18 = tpu.memref_slice %arg3[%add3A_10] : memref<647424xi32, #tpu.memory_space<hbm>> -> memref<128xi32, #tpu.memory_space<hbm>>
      %dma_start3A_19 = tpu.memref_slice %arg3[%add3A_10] : memref<647424xi32, #tpu.memory_space<hbm>> -> memref<128xi32, #tpu.memory_space<hbm>>
      tpu.enqueue_dma source(%dma_start3A_19 : memref<128xi32, #tpu.memory_space<hbm>>) target(%arg8 : memref<128xi32, #tpu.memory_space<vmem>>) target_semaphore(%run_scoped3A : memref<!tpu.dma_semaphore, #tpu.memory_space<semaphore_mem>>)
      %dma_wait3A_20 = tpu.memref_slice %arg3[%add3A_10] : memref<647424xi32, #tpu.memory_space<hbm>> -> memref<128xi32, #tpu.memory_space<hbm>>
      %dma_wait3A_21 = tpu.memref_slice %arg3[%add3A_10] : memref<647424xi32, #tpu.memory_space<hbm>> -> memref<128xi32, #tpu.memory_space<hbm>>
      tpu.wait_dma2 semaphore(%run_scoped3A : memref<!tpu.dma_semaphore, #tpu.memory_space<semaphore_mem>>) src(%dma_wait3A_21 : memref<128xi32, #tpu.memory_space<hbm>>) dst(%arg8 : memref<128xi32, #tpu.memory_space<vmem>>)
      tpu.yield
    }) : () -> ()
    %scan3A = arith.constant 0 : i32
    %scan3A_11 = arith.constant 79 : i32
    %scan3A_12 = arith.addi %scan3A, %scan3A_11 : i32
    %scan3A_13 = arith.constant 1 : i32
    scf.for %scan3A_18 = %scan3A to %scan3A_12 step %scan3A_13  : i32 {
      %mul3A_19 = arith.constant 1 : i32
      %mul3A_20 = arith.muli %scan3A_18, %mul3A_19 : i32
      %add3A_21 = arith.constant 0 : i32
      %add3A_22 = arith.addi %add3A_21, %mul3A_20 : i32
      %mul3A_23 = arith.constant 2 : i32
      %mul3A_24 = arith.muli %mul3A_23, %add3A_22 : i32
      %mul3A_25 = arith.constant 128 : i32
      %mul3A_26 = arith.muli %mul3A_24, %mul3A_25 : i32
      %add3A_27 = arith.addi %mul3A_4, %mul3A_26 : i32
      %mul3A_28 = arith.constant 2 : i32
      %mul3A_29 = arith.muli %mul3A_28, %add3A_22 : i32
      %mul3A_30 = arith.constant 128 : i32
      %mul3A_31 = arith.muli %mul3A_29, %mul3A_30 : i32
      %add3A_32 = arith.addi %add3A, %mul3A_31 : i32
      %dma_wait3A_33 = arith.constant 0 : i32
      %dma_wait3A_34 = arith.constant 0 : i32
      %dma_wait3A_35 = tpu.memref_slice %arg2[%dma_wait3A_33, %dma_wait3A_34] : memref<20000x128xf32, #tpu.memory_space<hbm>> -> memref<20000x128xf32, #tpu.memory_space<hbm>>
      tpu.wait_indirect_dma semaphore(%arg14 : memref<!tpu.dma_semaphore, #tpu.memory_space<semaphore_mem>>) src(%dma_wait3A_35 : memref<20000x128xf32, #tpu.memory_space<hbm>>) dst(%arg11 : memref<128x128xf32, #tpu.memory_space<vmem>>)
      %dma_start3A_36 = arith.constant 0 : i32
      %dma_start3A_37 = arith.constant 0 : i32
      %dma_start3A_38 = tpu.memref_slice %arg2[%dma_start3A_36, %dma_start3A_37] : memref<20000x128xf32, #tpu.memory_space<hbm>> -> memref<20000x128xf32, #tpu.memory_space<hbm>>
      tpu.enqueue_indirect_dma source(%dma_start3A_38 : memref<20000x128xf32, #tpu.memory_space<hbm>>) target(%arg12 : memref<128x128xf32, #tpu.memory_space<vmem>>) offsets(%arg8 : memref<128xi32, #tpu.memory_space<vmem>>) semaphore(%arg14 : memref<!tpu.dma_semaphore, #tpu.memory_space<semaphore_mem>>)
      "tpu.region"() ({
        %run_scoped3A = tpu.sem_alloc : memref<!tpu.dma_semaphore, #tpu.memory_space<semaphore_mem>>
        %dma_start3A_53 = arith.constant 0 : i32
        %dma_start3A_54 = arith.constant 0 : i32
        %dma_start3A_55 = tpu.memref_slice %arg13[%dma_start3A_53, %dma_start3A_54] : memref<10112x128xf32, #tpu.memory_space<vmem_shared>> -> memref<10112x128xf32, #tpu.memory_space<vmem_shared>>
        tpu.enqueue_indirect_dma source(%arg11 : memref<128x128xf32, #tpu.memory_space<vmem>>) target(%dma_start3A_55 : memref<10112x128xf32, #tpu.memory_space<vmem_shared>>) offsets(%arg9 : memref<128xi32, #tpu.memory_space<vmem>>) semaphore(%run_scoped3A : memref<!tpu.dma_semaphore, #tpu.memory_space<semaphore_mem>>) {add = true}
        %dma_wait3A_56 = arith.constant 0 : i32
        %dma_wait3A_57 = arith.constant 0 : i32
        %dma_wait3A_58 = tpu.memref_slice %arg13[%dma_wait3A_56, %dma_wait3A_57] : memref<10112x128xf32, #tpu.memory_space<vmem_shared>> -> memref<10112x128xf32, #tpu.memory_space<vmem_shared>>
        tpu.wait_indirect_dma semaphore(%run_scoped3A : memref<!tpu.dma_semaphore, #tpu.memory_space<semaphore_mem>>) src(%arg11 : memref<128x128xf32, #tpu.memory_space<vmem>>) dst(%dma_wait3A_58 : memref<10112x128xf32, #tpu.memory_space<vmem_shared>>)
        tpu.yield
      }) : () -> ()
      %add3A_39 = arith.constant 128 : i32
      %add3A_40 = arith.addi %add3A_27, %add3A_39 : i32
      "tpu.region"() ({
        %run_scoped3A = tpu.sem_alloc : memref<!tpu.dma_semaphore, #tpu.memory_space<semaphore_mem>>
        %dma_start3A_53 = tpu.memref_slice %arg4[%add3A_40] : memref<323840xi32, #tpu.memory_space<hbm>> -> memref<128xi32, #tpu.memory_space<hbm>>
        %dma_start3A_54 = tpu.memref_slice %arg4[%add3A_40] : memref<323840xi32, #tpu.memory_space<hbm>> -> memref<128xi32, #tpu.memory_space<hbm>>
        tpu.enqueue_dma source(%dma_start3A_54 : memref<128xi32, #tpu.memory_space<hbm>>) target(%arg10 : memref<128xi32, #tpu.memory_space<vmem>>) target_semaphore(%run_scoped3A : memref<!tpu.dma_semaphore, #tpu.memory_space<semaphore_mem>>)
        %dma_wait3A_55 = tpu.memref_slice %arg4[%add3A_40] : memref<323840xi32, #tpu.memory_space<hbm>> -> memref<128xi32, #tpu.memory_space<hbm>>
        %dma_wait3A_56 = tpu.memref_slice %arg4[%add3A_40] : memref<323840xi32, #tpu.memory_space<hbm>> -> memref<128xi32, #tpu.memory_space<hbm>>
        tpu.wait_dma2 semaphore(%run_scoped3A : memref<!tpu.dma_semaphore, #tpu.memory_space<semaphore_mem>>) src(%dma_wait3A_56 : memref<128xi32, #tpu.memory_space<hbm>>) dst(%arg10 : memref<128xi32, #tpu.memory_space<vmem>>)
        tpu.yield
      }) : () -> ()
      %add3A_41 = arith.constant 256 : i32
      %add3A_42 = arith.addi %add3A_32, %add3A_41 : i32
      "tpu.region"() ({
        %run_scoped3A = tpu.sem_alloc : memref<!tpu.dma_semaphore, #tpu.memory_space<semaphore_mem>>
        %dma_start3A_53 = tpu.memref_slice %arg3[%add3A_42] : memref<647424xi32, #tpu.memory_space<hbm>> -> memref<128xi32, #tpu.memory_space<hbm>>
        %dma_start3A_54 = tpu.memref_slice %arg3[%add3A_42] : memref<647424xi32, #tpu.memory_space<hbm>> -> memref<128xi32, #tpu.memory_space<hbm>>
        tpu.enqueue_dma source(%dma_start3A_54 : memref<128xi32, #tpu.memory_space<hbm>>) target(%arg7 : memref<128xi32, #tpu.memory_space<vmem>>) target_semaphore(%run_scoped3A : memref<!tpu.dma_semaphore, #tpu.memory_space<semaphore_mem>>)
        %dma_wait3A_55 = tpu.memref_slice %arg3[%add3A_42] : memref<647424xi32, #tpu.memory_space<hbm>> -> memref<128xi32, #tpu.memory_space<hbm>>
        %dma_wait3A_56 = tpu.memref_slice %arg3[%add3A_42] : memref<647424xi32, #tpu.memory_space<hbm>> -> memref<128xi32, #tpu.memory_space<hbm>>
        tpu.wait_dma2 semaphore(%run_scoped3A : memref<!tpu.dma_semaphore, #tpu.memory_space<semaphore_mem>>) src(%dma_wait3A_56 : memref<128xi32, #tpu.memory_space<hbm>>) dst(%arg7 : memref<128xi32, #tpu.memory_space<vmem>>)
        tpu.yield
      }) : () -> ()
      %dma_wait3A_43 = arith.constant 0 : i32
      %dma_wait3A_44 = arith.constant 0 : i32
      %dma_wait3A_45 = tpu.memref_slice %arg2[%dma_wait3A_43, %dma_wait3A_44] : memref<20000x128xf32, #tpu.memory_space<hbm>> -> memref<20000x128xf32, #tpu.memory_space<hbm>>
      tpu.wait_indirect_dma semaphore(%arg14 : memref<!tpu.dma_semaphore, #tpu.memory_space<semaphore_mem>>) src(%dma_wait3A_45 : memref<20000x128xf32, #tpu.memory_space<hbm>>) dst(%arg12 : memref<128x128xf32, #tpu.memory_space<vmem>>)
      %dma_start3A_46 = arith.constant 0 : i32
      %dma_start3A_47 = arith.constant 0 : i32
      %dma_start3A_48 = tpu.memref_slice %arg2[%dma_start3A_46, %dma_start3A_47] : memref<20000x128xf32, #tpu.memory_space<hbm>> -> memref<20000x128xf32, #tpu.memory_space<hbm>>
      tpu.enqueue_indirect_dma source(%dma_start3A_48 : memref<20000x128xf32, #tpu.memory_space<hbm>>) target(%arg11 : memref<128x128xf32, #tpu.memory_space<vmem>>) offsets(%arg7 : memref<128xi32, #tpu.memory_space<vmem>>) semaphore(%arg14 : memref<!tpu.dma_semaphore, #tpu.memory_space<semaphore_mem>>)
      "tpu.region"() ({
        %run_scoped3A = tpu.sem_alloc : memref<!tpu.dma_semaphore, #tpu.memory_space<semaphore_mem>>
        %dma_start3A_53 = arith.constant 0 : i32
        %dma_start3A_54 = arith.constant 0 : i32
        %dma_start3A_55 = tpu.memref_slice %arg13[%dma_start3A_53, %dma_start3A_54] : memref<10112x128xf32, #tpu.memory_space<vmem_shared>> -> memref<10112x128xf32, #tpu.memory_space<vmem_shared>>
        tpu.enqueue_indirect_dma source(%arg12 : memref<128x128xf32, #tpu.memory_space<vmem>>) target(%dma_start3A_55 : memref<10112x128xf32, #tpu.memory_space<vmem_shared>>) offsets(%arg10 : memref<128xi32, #tpu.memory_space<vmem>>) semaphore(%run_scoped3A : memref<!tpu.dma_semaphore, #tpu.memory_space<semaphore_mem>>) {add = true}
        %dma_wait3A_56 = arith.constant 0 : i32
        %dma_wait3A_57 = arith.constant 0 : i32
        %dma_wait3A_58 = tpu.memref_slice %arg13[%dma_wait3A_56, %dma_wait3A_57] : memref<10112x128xf32, #tpu.memory_space<vmem_shared>> -> memref<10112x128xf32, #tpu.memory_space<vmem_shared>>
        tpu.wait_indirect_dma semaphore(%run_scoped3A : memref<!tpu.dma_semaphore, #tpu.memory_space<semaphore_mem>>) src(%arg12 : memref<128x128xf32, #tpu.memory_space<vmem>>) dst(%dma_wait3A_58 : memref<10112x128xf32, #tpu.memory_space<vmem_shared>>)
        tpu.yield
      }) : () -> ()
      %add3A_49 = arith.constant 256 : i32
      %add3A_50 = arith.addi %add3A_27, %add3A_49 : i32
      "tpu.region"() ({
        %run_scoped3A = tpu.sem_alloc : memref<!tpu.dma_semaphore, #tpu.memory_space<semaphore_mem>>
        %dma_start3A_53 = tpu.memref_slice %arg4[%add3A_50] : memref<323840xi32, #tpu.memory_space<hbm>> -> memref<128xi32, #tpu.memory_space<hbm>>
        %dma_start3A_54 = tpu.memref_slice %arg4[%add3A_50] : memref<323840xi32, #tpu.memory_space<hbm>> -> memref<128xi32, #tpu.memory_space<hbm>>
        tpu.enqueue_dma source(%dma_start3A_54 : memref<128xi32, #tpu.memory_space<hbm>>) target(%arg9 : memref<128xi32, #tpu.memory_space<vmem>>) target_semaphore(%run_scoped3A : memref<!tpu.dma_semaphore, #tpu.memory_space<semaphore_mem>>)
        %dma_wait3A_55 = tpu.memref_slice %arg4[%add3A_50] : memref<323840xi32, #tpu.memory_space<hbm>> -> memref<128xi32, #tpu.memory_space<hbm>>
        %dma_wait3A_56 = tpu.memref_slice %arg4[%add3A_50] : memref<323840xi32, #tpu.memory_space<hbm>> -> memref<128xi32, #tpu.memory_space<hbm>>
        tpu.wait_dma2 semaphore(%run_scoped3A : memref<!tpu.dma_semaphore, #tpu.memory_space<semaphore_mem>>) src(%dma_wait3A_56 : memref<128xi32, #tpu.memory_space<hbm>>) dst(%arg9 : memref<128xi32, #tpu.memory_space<vmem>>)
        tpu.yield
      }) : () -> ()
      %add3A_51 = arith.constant 384 : i32
      %add3A_52 = arith.addi %add3A_32, %add3A_51 : i32
      "tpu.region"() ({
        %run_scoped3A = tpu.sem_alloc : memref<!tpu.dma_semaphore, #tpu.memory_space<semaphore_mem>>
        %dma_start3A_53 = tpu.memref_slice %arg3[%add3A_52] : memref<647424xi32, #tpu.memory_space<hbm>> -> memref<128xi32, #tpu.memory_space<hbm>>
        %dma_start3A_54 = tpu.memref_slice %arg3[%add3A_52] : memref<647424xi32, #tpu.memory_space<hbm>> -> memref<128xi32, #tpu.memory_space<hbm>>
        tpu.enqueue_dma source(%dma_start3A_54 : memref<128xi32, #tpu.memory_space<hbm>>) target(%arg8 : memref<128xi32, #tpu.memory_space<vmem>>) target_semaphore(%run_scoped3A : memref<!tpu.dma_semaphore, #tpu.memory_space<semaphore_mem>>)
        %dma_wait3A_55 = tpu.memref_slice %arg3[%add3A_52] : memref<647424xi32, #tpu.memory_space<hbm>> -> memref<128xi32, #tpu.memory_space<hbm>>
        %dma_wait3A_56 = tpu.memref_slice %arg3[%add3A_52] : memref<647424xi32, #tpu.memory_space<hbm>> -> memref<128xi32, #tpu.memory_space<hbm>>
        tpu.wait_dma2 semaphore(%run_scoped3A : memref<!tpu.dma_semaphore, #tpu.memory_space<semaphore_mem>>) src(%dma_wait3A_56 : memref<128xi32, #tpu.memory_space<hbm>>) dst(%arg8 : memref<128xi32, #tpu.memory_space<vmem>>)
        tpu.yield
      }) : () -> ()
    }
    %scan3A_14 = arith.constant 79 : i32
    %dma_wait3A = arith.constant 0 : i32
    %dma_wait3A_15 = arith.constant 0 : i32
    %dma_wait3A_16 = tpu.memref_slice %arg2[%dma_wait3A, %dma_wait3A_15] : memref<20000x128xf32, #tpu.memory_space<hbm>> -> memref<20000x128xf32, #tpu.memory_space<hbm>>
    tpu.wait_indirect_dma semaphore(%arg14 : memref<!tpu.dma_semaphore, #tpu.memory_space<semaphore_mem>>) src(%dma_wait3A_16 : memref<20000x128xf32, #tpu.memory_space<hbm>>) dst(%arg11 : memref<128x128xf32, #tpu.memory_space<vmem>>)
    %barrier3A_17 = arith.constant 0 : index
    tpu.barrier barrier_id(%barrier3A_17)
    "tpu.region"() ({
      %run_scoped3A = tpu.sem_alloc : memref<!tpu.dma_semaphore, #tpu.memory_space<semaphore_mem>>
      %dma_start3A_18 = arith.constant 0 : i32
      %dma_start3A_19 = tpu.memref_slice %arg6[%arg0, %mul3A_0, %dma_start3A_18] : memref<2x10112x128xf32, #tpu.memory_space<hbm>> -> memref<1x632x128xf32, #tpu.memory_space<hbm>>
      %dma_start3A_20 = tpu.memref_squeeze %dma_start3A_19 : memref<1x632x128xf32, #tpu.memory_space<hbm>> -> memref<632x128xf32, #tpu.memory_space<hbm>>
      %dma_start3A_21 = arith.constant 0 : i32
      %dma_start3A_22 = tpu.memref_slice %arg13[%mul3A_0, %dma_start3A_21] : memref<10112x128xf32, #tpu.memory_space<vmem_shared>> -> memref<632x128xf32, #tpu.memory_space<vmem_shared>>
      tpu.enqueue_dma source(%dma_start3A_22 : memref<632x128xf32, #tpu.memory_space<vmem_shared>>) target(%dma_start3A_20 : memref<632x128xf32, #tpu.memory_space<hbm>>) target_semaphore(%run_scoped3A : memref<!tpu.dma_semaphore, #tpu.memory_space<semaphore_mem>>)
      %dma_wait3A_23 = arith.constant 0 : i32
      %dma_wait3A_24 = tpu.memref_slice %arg6[%arg0, %mul3A_0, %dma_wait3A_23] : memref<2x10112x128xf32, #tpu.memory_space<hbm>> -> memref<1x632x128xf32, #tpu.memory_space<hbm>>
      %dma_wait3A_25 = tpu.memref_squeeze %dma_wait3A_24 : memref<1x632x128xf32, #tpu.memory_space<hbm>> -> memref<632x128xf32, #tpu.memory_space<hbm>>
      %dma_wait3A_26 = arith.constant 0 : i32
      %dma_wait3A_27 = tpu.memref_slice %arg13[%mul3A_0, %dma_wait3A_26] : memref<10112x128xf32, #tpu.memory_space<vmem_shared>> -> memref<632x128xf32, #tpu.memory_space<vmem_shared>>
      tpu.wait_dma2 semaphore(%run_scoped3A : memref<!tpu.dma_semaphore, #tpu.memory_space<semaphore_mem>>) src(%dma_wait3A_27 : memref<632x128xf32, #tpu.memory_space<vmem_shared>>) dst(%dma_wait3A_25 : memref<632x128xf32, #tpu.memory_space<hbm>>)
      tpu.yield
    }) : () -> ()
    return
  }
}

#map = affine_map<(d0, d1) -> (0)>
#map1 = affine_map<(d0, d1) -> (0, 0)>
#map2 = affine_map<(d0, d1) -> (0, 0, 0)>
module attributes {stable_mosaic.version = 14 : i64} {
  func.func @gcn_degree(%arg0: i32, %arg1: i32, %arg2: memref<323584xi32, #tpu.memory_space<hbm>>, %arg3: memref<128x128xf32, #tpu.memory_space<hbm>>, %arg4: memref<10112x128xf32, #tpu.memory_space<hbm>>, %arg5: memref<2x10112x128xf32, #tpu.memory_space<hbm>>, %arg6: memref<128x128xf32, #tpu.memory_space<vmem>>, %arg7: memref<128xi32, #tpu.memory_space<vmem>>, %arg8: memref<10112x128xf32, #tpu.memory_space<vmem_shared>>) attributes {dimension_semantics = [#tpu.dimension_semantics<core_parallel>, #tpu.dimension_semantics<subcore_parallel>], iteration_bounds = array<i64: 2, 16>, scalar_prefetch = 0 : i64, scratch_operands = 3 : i64, tpu.core_type = #tpu.core_type<sc_vector_subcore>, window_params = [{transform_indices = #map}, {transform_indices = #map1}, {transform_indices = #map1}, {transform_indices = #map2}]} {
    %mul3A = arith.constant 632 : i32
    %mul3A_0 = arith.muli %arg1, %mul3A : i32
    "tpu.region"() ({
      %run_scoped3A = tpu.sem_alloc : memref<!tpu.dma_semaphore, #tpu.memory_space<semaphore_mem>>
      %dma_start3A = arith.constant 0 : i32
      %dma_start3A_12 = tpu.memref_slice %arg8[%mul3A_0, %dma_start3A] : memref<10112x128xf32, #tpu.memory_space<vmem_shared>> -> memref<632x128xf32, #tpu.memory_space<vmem_shared>>
      %dma_start3A_13 = arith.constant 0 : i32
      %dma_start3A_14 = tpu.memref_slice %arg4[%mul3A_0, %dma_start3A_13] : memref<10112x128xf32, #tpu.memory_space<hbm>> -> memref<632x128xf32, #tpu.memory_space<hbm>>
      tpu.enqueue_dma source(%dma_start3A_14 : memref<632x128xf32, #tpu.memory_space<hbm>>) target(%dma_start3A_12 : memref<632x128xf32, #tpu.memory_space<vmem_shared>>) target_semaphore(%run_scoped3A : memref<!tpu.dma_semaphore, #tpu.memory_space<semaphore_mem>>)
      %dma_wait3A = arith.constant 0 : i32
      %dma_wait3A_15 = tpu.memref_slice %arg8[%mul3A_0, %dma_wait3A] : memref<10112x128xf32, #tpu.memory_space<vmem_shared>> -> memref<632x128xf32, #tpu.memory_space<vmem_shared>>
      %dma_wait3A_16 = arith.constant 0 : i32
      %dma_wait3A_17 = tpu.memref_slice %arg4[%mul3A_0, %dma_wait3A_16] : memref<10112x128xf32, #tpu.memory_space<hbm>> -> memref<632x128xf32, #tpu.memory_space<hbm>>
      tpu.wait_dma2 semaphore(%run_scoped3A : memref<!tpu.dma_semaphore, #tpu.memory_space<semaphore_mem>>) src(%dma_wait3A_17 : memref<632x128xf32, #tpu.memory_space<hbm>>) dst(%dma_wait3A_15 : memref<632x128xf32, #tpu.memory_space<vmem_shared>>)
      tpu.yield
    }) : () -> ()
    "tpu.region"() ({
      %run_scoped3A = tpu.sem_alloc : memref<!tpu.dma_semaphore, #tpu.memory_space<semaphore_mem>>
      tpu.enqueue_dma source(%arg3 : memref<128x128xf32, #tpu.memory_space<hbm>>) target(%arg6 : memref<128x128xf32, #tpu.memory_space<vmem>>) target_semaphore(%run_scoped3A : memref<!tpu.dma_semaphore, #tpu.memory_space<semaphore_mem>>)
      tpu.wait_dma2 semaphore(%run_scoped3A : memref<!tpu.dma_semaphore, #tpu.memory_space<semaphore_mem>>) src(%arg3 : memref<128x128xf32, #tpu.memory_space<hbm>>) dst(%arg6 : memref<128x128xf32, #tpu.memory_space<vmem>>)
      tpu.yield
    }) : () -> ()
    %barrier3A = arith.constant 0 : index
    tpu.barrier barrier_id(%barrier3A)
    %mul3A_1 = arith.constant 16 : i32
    %mul3A_2 = arith.muli %arg0, %mul3A_1 : i32
    %add3A = arith.addi %mul3A_2, %arg1 : i32
    %mul3A_3 = arith.constant 79 : i32
    %mul3A_4 = arith.muli %add3A, %mul3A_3 : i32
    %mul3A_5 = arith.constant 128 : i32
    %mul3A_6 = arith.muli %mul3A_4, %mul3A_5 : i32
    %scan3A = arith.constant 0 : i32
    %scan3A_7 = arith.constant 79 : i32
    %scan3A_8 = arith.addi %scan3A, %scan3A_7 : i32
    %scan3A_9 = arith.constant 1 : i32
    scf.for %scan3A_12 = %scan3A to %scan3A_8 step %scan3A_9  : i32 {
      %mul3A_13 = arith.constant 1 : i32
      %mul3A_14 = arith.muli %scan3A_12, %mul3A_13 : i32
      %add3A_15 = arith.constant 0 : i32
      %add3A_16 = arith.addi %add3A_15, %mul3A_14 : i32
      %mul3A_17 = arith.constant 128 : i32
      %mul3A_18 = arith.muli %add3A_16, %mul3A_17 : i32
      %add3A_19 = arith.addi %mul3A_6, %mul3A_18 : i32
      "tpu.region"() ({
        %run_scoped3A = tpu.sem_alloc : memref<!tpu.dma_semaphore, #tpu.memory_space<semaphore_mem>>
        %dma_start3A = tpu.memref_slice %arg2[%add3A_19] : memref<323584xi32, #tpu.memory_space<hbm>> -> memref<128xi32, #tpu.memory_space<hbm>>
        %dma_start3A_20 = tpu.memref_slice %arg2[%add3A_19] : memref<323584xi32, #tpu.memory_space<hbm>> -> memref<128xi32, #tpu.memory_space<hbm>>
        tpu.enqueue_dma source(%dma_start3A_20 : memref<128xi32, #tpu.memory_space<hbm>>) target(%arg7 : memref<128xi32, #tpu.memory_space<vmem>>) target_semaphore(%run_scoped3A : memref<!tpu.dma_semaphore, #tpu.memory_space<semaphore_mem>>)
        %dma_wait3A = tpu.memref_slice %arg2[%add3A_19] : memref<323584xi32, #tpu.memory_space<hbm>> -> memref<128xi32, #tpu.memory_space<hbm>>
        %dma_wait3A_21 = tpu.memref_slice %arg2[%add3A_19] : memref<323584xi32, #tpu.memory_space<hbm>> -> memref<128xi32, #tpu.memory_space<hbm>>
        tpu.wait_dma2 semaphore(%run_scoped3A : memref<!tpu.dma_semaphore, #tpu.memory_space<semaphore_mem>>) src(%dma_wait3A_21 : memref<128xi32, #tpu.memory_space<hbm>>) dst(%arg7 : memref<128xi32, #tpu.memory_space<vmem>>)
        tpu.yield
      }) : () -> ()
      "tpu.region"() ({
        %run_scoped3A = tpu.sem_alloc : memref<!tpu.dma_semaphore, #tpu.memory_space<semaphore_mem>>
        %dma_start3A = arith.constant 0 : i32
        %dma_start3A_20 = arith.constant 0 : i32
        %dma_start3A_21 = tpu.memref_slice %arg8[%dma_start3A, %dma_start3A_20] : memref<10112x128xf32, #tpu.memory_space<vmem_shared>> -> memref<10112x128xf32, #tpu.memory_space<vmem_shared>>
        tpu.enqueue_indirect_dma source(%arg6 : memref<128x128xf32, #tpu.memory_space<vmem>>) target(%dma_start3A_21 : memref<10112x128xf32, #tpu.memory_space<vmem_shared>>) offsets(%arg7 : memref<128xi32, #tpu.memory_space<vmem>>) semaphore(%run_scoped3A : memref<!tpu.dma_semaphore, #tpu.memory_space<semaphore_mem>>) {add = true}
        %dma_wait3A = arith.constant 0 : i32
        %dma_wait3A_22 = arith.constant 0 : i32
        %dma_wait3A_23 = tpu.memref_slice %arg8[%dma_wait3A, %dma_wait3A_22] : memref<10112x128xf32, #tpu.memory_space<vmem_shared>> -> memref<10112x128xf32, #tpu.memory_space<vmem_shared>>
        tpu.wait_indirect_dma semaphore(%run_scoped3A : memref<!tpu.dma_semaphore, #tpu.memory_space<semaphore_mem>>) src(%arg6 : memref<128x128xf32, #tpu.memory_space<vmem>>) dst(%dma_wait3A_23 : memref<10112x128xf32, #tpu.memory_space<vmem_shared>>)
        tpu.yield
      }) : () -> ()
    }
    %scan3A_10 = arith.constant 79 : i32
    %barrier3A_11 = arith.constant 0 : index
    tpu.barrier barrier_id(%barrier3A_11)
    "tpu.region"() ({
      %run_scoped3A = tpu.sem_alloc : memref<!tpu.dma_semaphore, #tpu.memory_space<semaphore_mem>>
      %dma_start3A = arith.constant 0 : i32
      %dma_start3A_12 = tpu.memref_slice %arg5[%arg0, %mul3A_0, %dma_start3A] : memref<2x10112x128xf32, #tpu.memory_space<hbm>> -> memref<1x632x128xf32, #tpu.memory_space<hbm>>
      %dma_start3A_13 = tpu.memref_squeeze %dma_start3A_12 : memref<1x632x128xf32, #tpu.memory_space<hbm>> -> memref<632x128xf32, #tpu.memory_space<hbm>>
      %dma_start3A_14 = arith.constant 0 : i32
      %dma_start3A_15 = tpu.memref_slice %arg8[%mul3A_0, %dma_start3A_14] : memref<10112x128xf32, #tpu.memory_space<vmem_shared>> -> memref<632x128xf32, #tpu.memory_space<vmem_shared>>
      tpu.enqueue_dma source(%dma_start3A_15 : memref<632x128xf32, #tpu.memory_space<vmem_shared>>) target(%dma_start3A_13 : memref<632x128xf32, #tpu.memory_space<hbm>>) target_semaphore(%run_scoped3A : memref<!tpu.dma_semaphore, #tpu.memory_space<semaphore_mem>>)
      %dma_wait3A = arith.constant 0 : i32
      %dma_wait3A_16 = tpu.memref_slice %arg5[%arg0, %mul3A_0, %dma_wait3A] : memref<2x10112x128xf32, #tpu.memory_space<hbm>> -> memref<1x632x128xf32, #tpu.memory_space<hbm>>
      %dma_wait3A_17 = tpu.memref_squeeze %dma_wait3A_16 : memref<1x632x128xf32, #tpu.memory_space<hbm>> -> memref<632x128xf32, #tpu.memory_space<hbm>>
      %dma_wait3A_18 = arith.constant 0 : i32
      %dma_wait3A_19 = tpu.memref_slice %arg8[%mul3A_0, %dma_wait3A_18] : memref<10112x128xf32, #tpu.memory_space<vmem_shared>> -> memref<632x128xf32, #tpu.memory_space<vmem_shared>>
      tpu.wait_dma2 semaphore(%run_scoped3A : memref<!tpu.dma_semaphore, #tpu.memory_space<semaphore_mem>>) src(%dma_wait3A_19 : memref<632x128xf32, #tpu.memory_space<vmem_shared>>) dst(%dma_wait3A_17 : memref<632x128xf32, #tpu.memory_space<hbm>>)
      tpu.yield
    }) : () -> ()
    return
  }
}

#map = affine_map<(d0, d1) -> (0, 0)>
#map1 = affine_map<(d0, d1) -> (0)>
#map2 = affine_map<(d0, d1) -> (0, 0, 0)>
module attributes {stable_mosaic.version = 14 : i64} {
  func.func @gcn_edge_scatter(%arg0: i32, %arg1: i32, %arg2: memref<20000x128xf32, #tpu.memory_space<hbm>>, %arg3: memref<647424xi32, #tpu.memory_space<hbm>>, %arg4: memref<323840xi32, #tpu.memory_space<hbm>>, %arg5: memref<10112x128xf32, #tpu.memory_space<hbm>>, %arg6: memref<2x10112x128xf32, #tpu.memory_space<hbm>>, %arg7: memref<128xi32, #tpu.memory_space<vmem>>, %arg8: memref<128xi32, #tpu.memory_space<vmem>>, %arg9: memref<128xi32, #tpu.memory_space<vmem>>, %arg10: memref<128xi32, #tpu.memory_space<vmem>>, %arg11: memref<128x128xf32, #tpu.memory_space<vmem>>, %arg12: memref<128x128xf32, #tpu.memory_space<vmem>>, %arg13: memref<10112x128xf32, #tpu.memory_space<vmem_shared>>, %arg14: memref<!tpu.dma_semaphore, #tpu.memory_space<semaphore_mem>>) attributes {dimension_semantics = [#tpu.dimension_semantics<core_parallel>, #tpu.dimension_semantics<subcore_parallel>], iteration_bounds = array<i64: 2, 16>, scalar_prefetch = 0 : i64, scratch_operands = 8 : i64, tpu.core_type = #tpu.core_type<sc_vector_subcore>, window_params = [{transform_indices = #map}, {transform_indices = #map1}, {transform_indices = #map1}, {transform_indices = #map}, {transform_indices = #map2}]} {
    %mul3A = arith.constant 632 : i32
    %mul3A_0 = arith.muli %arg1, %mul3A : i32
    "tpu.region"() ({
      %run_scoped3A = tpu.sem_alloc : memref<!tpu.dma_semaphore, #tpu.memory_space<semaphore_mem>>
      %dma_start3A_18 = arith.constant 0 : i32
      %dma_start3A_19 = tpu.memref_slice %arg13[%mul3A_0, %dma_start3A_18] : memref<10112x128xf32, #tpu.memory_space<vmem_shared>> -> memref<632x128xf32, #tpu.memory_space<vmem_shared>>
      %dma_start3A_20 = arith.constant 0 : i32
      %dma_start3A_21 = tpu.memref_slice %arg5[%mul3A_0, %dma_start3A_20] : memref<10112x128xf32, #tpu.memory_space<hbm>> -> memref<632x128xf32, #tpu.memory_space<hbm>>
      tpu.enqueue_dma source(%dma_start3A_21 : memref<632x128xf32, #tpu.memory_space<hbm>>) target(%dma_start3A_19 : memref<632x128xf32, #tpu.memory_space<vmem_shared>>) target_semaphore(%run_scoped3A : memref<!tpu.dma_semaphore, #tpu.memory_space<semaphore_mem>>)
      %dma_wait3A_22 = arith.constant 0 : i32
      %dma_wait3A_23 = tpu.memref_slice %arg13[%mul3A_0, %dma_wait3A_22] : memref<10112x128xf32, #tpu.memory_space<vmem_shared>> -> memref<632x128xf32, #tpu.memory_space<vmem_shared>>
      %dma_wait3A_24 = arith.constant 0 : i32
      %dma_wait3A_25 = tpu.memref_slice %arg5[%mul3A_0, %dma_wait3A_24] : memref<10112x128xf32, #tpu.memory_space<hbm>> -> memref<632x128xf32, #tpu.memory_space<hbm>>
      tpu.wait_dma2 semaphore(%run_scoped3A : memref<!tpu.dma_semaphore, #tpu.memory_space<semaphore_mem>>) src(%dma_wait3A_25 : memref<632x128xf32, #tpu.memory_space<hbm>>) dst(%dma_wait3A_23 : memref<632x128xf32, #tpu.memory_space<vmem_shared>>)
      tpu.yield
    }) : () -> ()
    %barrier3A = arith.constant 0 : index
    tpu.barrier barrier_id(%barrier3A)
    %mul3A_1 = arith.constant 158 : i32
    %mul3A_2 = arith.muli %arg1, %mul3A_1 : i32
    %mul3A_3 = arith.constant 128 : i32
    %mul3A_4 = arith.muli %mul3A_2, %mul3A_3 : i32
    %mul3A_5 = arith.constant 323584 : i32
    %mul3A_6 = arith.muli %arg0, %mul3A_5 : i32
    %add3A = arith.addi %mul3A_6, %mul3A_4 : i32
    "tpu.region"() ({
      %run_scoped3A = tpu.sem_alloc : memref<!tpu.dma_semaphore, #tpu.memory_space<semaphore_mem>>
      %dma_start3A_18 = tpu.memref_slice %arg3[%add3A] : memref<647424xi32, #tpu.memory_space<hbm>> -> memref<128xi32, #tpu.memory_space<hbm>>
      %dma_start3A_19 = tpu.memref_slice %arg3[%add3A] : memref<647424xi32, #tpu.memory_space<hbm>> -> memref<128xi32, #tpu.memory_space<hbm>>
      tpu.enqueue_dma source(%dma_start3A_19 : memref<128xi32, #tpu.memory_space<hbm>>) target(%arg7 : memref<128xi32, #tpu.memory_space<vmem>>) target_semaphore(%run_scoped3A : memref<!tpu.dma_semaphore, #tpu.memory_space<semaphore_mem>>)
      %dma_wait3A_20 = tpu.memref_slice %arg3[%add3A] : memref<647424xi32, #tpu.memory_space<hbm>> -> memref<128xi32, #tpu.memory_space<hbm>>
      %dma_wait3A_21 = tpu.memref_slice %arg3[%add3A] : memref<647424xi32, #tpu.memory_space<hbm>> -> memref<128xi32, #tpu.memory_space<hbm>>
      tpu.wait_dma2 semaphore(%run_scoped3A : memref<!tpu.dma_semaphore, #tpu.memory_space<semaphore_mem>>) src(%dma_wait3A_21 : memref<128xi32, #tpu.memory_space<hbm>>) dst(%arg7 : memref<128xi32, #tpu.memory_space<vmem>>)
      tpu.yield
    }) : () -> ()
    %dma_start3A = arith.constant 0 : i32
    %dma_start3A_7 = arith.constant 0 : i32
    %dma_start3A_8 = tpu.memref_slice %arg2[%dma_start3A, %dma_start3A_7] : memref<20000x128xf32, #tpu.memory_space<hbm>> -> memref<20000x128xf32, #tpu.memory_space<hbm>>
    tpu.enqueue_indirect_dma source(%dma_start3A_8 : memref<20000x128xf32, #tpu.memory_space<hbm>>) target(%arg11 : memref<128x128xf32, #tpu.memory_space<vmem>>) offsets(%arg7 : memref<128xi32, #tpu.memory_space<vmem>>) semaphore(%arg14 : memref<!tpu.dma_semaphore, #tpu.memory_space<semaphore_mem>>)
    "tpu.region"() ({
      %run_scoped3A = tpu.sem_alloc : memref<!tpu.dma_semaphore, #tpu.memory_space<semaphore_mem>>
      %dma_start3A_18 = tpu.memref_slice %arg4[%mul3A_4] : memref<323840xi32, #tpu.memory_space<hbm>> -> memref<128xi32, #tpu.memory_space<hbm>>
      %dma_start3A_19 = tpu.memref_slice %arg4[%mul3A_4] : memref<323840xi32, #tpu.memory_space<hbm>> -> memref<128xi32, #tpu.memory_space<hbm>>
      tpu.enqueue_dma source(%dma_start3A_19 : memref<128xi32, #tpu.memory_space<hbm>>) target(%arg9 : memref<128xi32, #tpu.memory_space<vmem>>) target_semaphore(%run_scoped3A : memref<!tpu.dma_semaphore, #tpu.memory_space<semaphore_mem>>)
      %dma_wait3A_20 = tpu.memref_slice %arg4[%mul3A_4] : memref<323840xi32, #tpu.memory_space<hbm>> -> memref<128xi32, #tpu.memory_space<hbm>>
      %dma_wait3A_21 = tpu.memref_slice %arg4[%mul3A_4] : memref<323840xi32, #tpu.memory_space<hbm>> -> memref<128xi32, #tpu.memory_space<hbm>>
      tpu.wait_dma2 semaphore(%run_scoped3A : memref<!tpu.dma_semaphore, #tpu.memory_space<semaphore_mem>>) src(%dma_wait3A_21 : memref<128xi32, #tpu.memory_space<hbm>>) dst(%arg9 : memref<128xi32, #tpu.memory_space<vmem>>)
      tpu.yield
    }) : () -> ()
    %add3A_9 = arith.constant 128 : i32
    %add3A_10 = arith.addi %add3A, %add3A_9 : i32
    "tpu.region"() ({
      %run_scoped3A = tpu.sem_alloc : memref<!tpu.dma_semaphore, #tpu.memory_space<semaphore_mem>>
      %dma_start3A_18 = tpu.memref_slice %arg3[%add3A_10] : memref<647424xi32, #tpu.memory_space<hbm>> -> memref<128xi32, #tpu.memory_space<hbm>>
      %dma_start3A_19 = tpu.memref_slice %arg3[%add3A_10] : memref<647424xi32, #tpu.memory_space<hbm>> -> memref<128xi32, #tpu.memory_space<hbm>>
      tpu.enqueue_dma source(%dma_start3A_19 : memref<128xi32, #tpu.memory_space<hbm>>) target(%arg8 : memref<128xi32, #tpu.memory_space<vmem>>) target_semaphore(%run_scoped3A : memref<!tpu.dma_semaphore, #tpu.memory_space<semaphore_mem>>)
      %dma_wait3A_20 = tpu.memref_slice %arg3[%add3A_10] : memref<647424xi32, #tpu.memory_space<hbm>> -> memref<128xi32, #tpu.memory_space<hbm>>
      %dma_wait3A_21 = tpu.memref_slice %arg3[%add3A_10] : memref<647424xi32, #tpu.memory_space<hbm>> -> memref<128xi32, #tpu.memory_space<hbm>>
      tpu.wait_dma2 semaphore(%run_scoped3A : memref<!tpu.dma_semaphore, #tpu.memory_space<semaphore_mem>>) src(%dma_wait3A_21 : memref<128xi32, #tpu.memory_space<hbm>>) dst(%arg8 : memref<128xi32, #tpu.memory_space<vmem>>)
      tpu.yield
    }) : () -> ()
    %scan3A = arith.constant 0 : i32
    %scan3A_11 = arith.constant 79 : i32
    %scan3A_12 = arith.addi %scan3A, %scan3A_11 : i32
    %scan3A_13 = arith.constant 1 : i32
    scf.for %scan3A_18 = %scan3A to %scan3A_12 step %scan3A_13  : i32 {
      %mul3A_19 = arith.constant 1 : i32
      %mul3A_20 = arith.muli %scan3A_18, %mul3A_19 : i32
      %add3A_21 = arith.constant 0 : i32
      %add3A_22 = arith.addi %add3A_21, %mul3A_20 : i32
      %mul3A_23 = arith.constant 2 : i32
      %mul3A_24 = arith.muli %mul3A_23, %add3A_22 : i32
      %mul3A_25 = arith.constant 128 : i32
      %mul3A_26 = arith.muli %mul3A_24, %mul3A_25 : i32
      %add3A_27 = arith.addi %mul3A_4, %mul3A_26 : i32
      %mul3A_28 = arith.constant 2 : i32
      %mul3A_29 = arith.muli %mul3A_28, %add3A_22 : i32
      %mul3A_30 = arith.constant 128 : i32
      %mul3A_31 = arith.muli %mul3A_29, %mul3A_30 : i32
      %add3A_32 = arith.addi %add3A, %mul3A_31 : i32
      %dma_wait3A_33 = arith.constant 0 : i32
      %dma_wait3A_34 = arith.constant 0 : i32
      %dma_wait3A_35 = tpu.memref_slice %arg2[%dma_wait3A_33, %dma_wait3A_34] : memref<20000x128xf32, #tpu.memory_space<hbm>> -> memref<20000x128xf32, #tpu.memory_space<hbm>>
      tpu.wait_indirect_dma semaphore(%arg14 : memref<!tpu.dma_semaphore, #tpu.memory_space<semaphore_mem>>) src(%dma_wait3A_35 : memref<20000x128xf32, #tpu.memory_space<hbm>>) dst(%arg11 : memref<128x128xf32, #tpu.memory_space<vmem>>)
      %dma_start3A_36 = arith.constant 0 : i32
      %dma_start3A_37 = arith.constant 0 : i32
      %dma_start3A_38 = tpu.memref_slice %arg2[%dma_start3A_36, %dma_start3A_37] : memref<20000x128xf32, #tpu.memory_space<hbm>> -> memref<20000x128xf32, #tpu.memory_space<hbm>>
      tpu.enqueue_indirect_dma source(%dma_start3A_38 : memref<20000x128xf32, #tpu.memory_space<hbm>>) target(%arg12 : memref<128x128xf32, #tpu.memory_space<vmem>>) offsets(%arg8 : memref<128xi32, #tpu.memory_space<vmem>>) semaphore(%arg14 : memref<!tpu.dma_semaphore, #tpu.memory_space<semaphore_mem>>)
      "tpu.region"() ({
        %run_scoped3A = tpu.sem_alloc : memref<!tpu.dma_semaphore, #tpu.memory_space<semaphore_mem>>
        %dma_start3A_53 = arith.constant 0 : i32
        %dma_start3A_54 = arith.constant 0 : i32
        %dma_start3A_55 = tpu.memref_slice %arg13[%dma_start3A_53, %dma_start3A_54] : memref<10112x128xf32, #tpu.memory_space<vmem_shared>> -> memref<10112x128xf32, #tpu.memory_space<vmem_shared>>
        tpu.enqueue_indirect_dma source(%arg11 : memref<128x128xf32, #tpu.memory_space<vmem>>) target(%dma_start3A_55 : memref<10112x128xf32, #tpu.memory_space<vmem_shared>>) offsets(%arg9 : memref<128xi32, #tpu.memory_space<vmem>>) semaphore(%run_scoped3A : memref<!tpu.dma_semaphore, #tpu.memory_space<semaphore_mem>>) {add = true}
        %dma_wait3A_56 = arith.constant 0 : i32
        %dma_wait3A_57 = arith.constant 0 : i32
        %dma_wait3A_58 = tpu.memref_slice %arg13[%dma_wait3A_56, %dma_wait3A_57] : memref<10112x128xf32, #tpu.memory_space<vmem_shared>> -> memref<10112x128xf32, #tpu.memory_space<vmem_shared>>
        tpu.wait_indirect_dma semaphore(%run_scoped3A : memref<!tpu.dma_semaphore, #tpu.memory_space<semaphore_mem>>) src(%arg11 : memref<128x128xf32, #tpu.memory_space<vmem>>) dst(%dma_wait3A_58 : memref<10112x128xf32, #tpu.memory_space<vmem_shared>>)
        tpu.yield
      }) : () -> ()
      %add3A_39 = arith.constant 128 : i32
      %add3A_40 = arith.addi %add3A_27, %add3A_39 : i32
      "tpu.region"() ({
        %run_scoped3A = tpu.sem_alloc : memref<!tpu.dma_semaphore, #tpu.memory_space<semaphore_mem>>
        %dma_start3A_53 = tpu.memref_slice %arg4[%add3A_40] : memref<323840xi32, #tpu.memory_space<hbm>> -> memref<128xi32, #tpu.memory_space<hbm>>
        %dma_start3A_54 = tpu.memref_slice %arg4[%add3A_40] : memref<323840xi32, #tpu.memory_space<hbm>> -> memref<128xi32, #tpu.memory_space<hbm>>
        tpu.enqueue_dma source(%dma_start3A_54 : memref<128xi32, #tpu.memory_space<hbm>>) target(%arg10 : memref<128xi32, #tpu.memory_space<vmem>>) target_semaphore(%run_scoped3A : memref<!tpu.dma_semaphore, #tpu.memory_space<semaphore_mem>>)
        %dma_wait3A_55 = tpu.memref_slice %arg4[%add3A_40] : memref<323840xi32, #tpu.memory_space<hbm>> -> memref<128xi32, #tpu.memory_space<hbm>>
        %dma_wait3A_56 = tpu.memref_slice %arg4[%add3A_40] : memref<323840xi32, #tpu.memory_space<hbm>> -> memref<128xi32, #tpu.memory_space<hbm>>
        tpu.wait_dma2 semaphore(%run_scoped3A : memref<!tpu.dma_semaphore, #tpu.memory_space<semaphore_mem>>) src(%dma_wait3A_56 : memref<128xi32, #tpu.memory_space<hbm>>) dst(%arg10 : memref<128xi32, #tpu.memory_space<vmem>>)
        tpu.yield
      }) : () -> ()
      %add3A_41 = arith.constant 256 : i32
      %add3A_42 = arith.addi %add3A_32, %add3A_41 : i32
      "tpu.region"() ({
        %run_scoped3A = tpu.sem_alloc : memref<!tpu.dma_semaphore, #tpu.memory_space<semaphore_mem>>
        %dma_start3A_53 = tpu.memref_slice %arg3[%add3A_42] : memref<647424xi32, #tpu.memory_space<hbm>> -> memref<128xi32, #tpu.memory_space<hbm>>
        %dma_start3A_54 = tpu.memref_slice %arg3[%add3A_42] : memref<647424xi32, #tpu.memory_space<hbm>> -> memref<128xi32, #tpu.memory_space<hbm>>
        tpu.enqueue_dma source(%dma_start3A_54 : memref<128xi32, #tpu.memory_space<hbm>>) target(%arg7 : memref<128xi32, #tpu.memory_space<vmem>>) target_semaphore(%run_scoped3A : memref<!tpu.dma_semaphore, #tpu.memory_space<semaphore_mem>>)
        %dma_wait3A_55 = tpu.memref_slice %arg3[%add3A_42] : memref<647424xi32, #tpu.memory_space<hbm>> -> memref<128xi32, #tpu.memory_space<hbm>>
        %dma_wait3A_56 = tpu.memref_slice %arg3[%add3A_42] : memref<647424xi32, #tpu.memory_space<hbm>> -> memref<128xi32, #tpu.memory_space<hbm>>
        tpu.wait_dma2 semaphore(%run_scoped3A : memref<!tpu.dma_semaphore, #tpu.memory_space<semaphore_mem>>) src(%dma_wait3A_56 : memref<128xi32, #tpu.memory_space<hbm>>) dst(%arg7 : memref<128xi32, #tpu.memory_space<vmem>>)
        tpu.yield
      }) : () -> ()
      %dma_wait3A_43 = arith.constant 0 : i32
      %dma_wait3A_44 = arith.constant 0 : i32
      %dma_wait3A_45 = tpu.memref_slice %arg2[%dma_wait3A_43, %dma_wait3A_44] : memref<20000x128xf32, #tpu.memory_space<hbm>> -> memref<20000x128xf32, #tpu.memory_space<hbm>>
      tpu.wait_indirect_dma semaphore(%arg14 : memref<!tpu.dma_semaphore, #tpu.memory_space<semaphore_mem>>) src(%dma_wait3A_45 : memref<20000x128xf32, #tpu.memory_space<hbm>>) dst(%arg12 : memref<128x128xf32, #tpu.memory_space<vmem>>)
      %dma_start3A_46 = arith.constant 0 : i32
      %dma_start3A_47 = arith.constant 0 : i32
      %dma_start3A_48 = tpu.memref_slice %arg2[%dma_start3A_46, %dma_start3A_47] : memref<20000x128xf32, #tpu.memory_space<hbm>> -> memref<20000x128xf32, #tpu.memory_space<hbm>>
      tpu.enqueue_indirect_dma source(%dma_start3A_48 : memref<20000x128xf32, #tpu.memory_space<hbm>>) target(%arg11 : memref<128x128xf32, #tpu.memory_space<vmem>>) offsets(%arg7 : memref<128xi32, #tpu.memory_space<vmem>>) semaphore(%arg14 : memref<!tpu.dma_semaphore, #tpu.memory_space<semaphore_mem>>)
      "tpu.region"() ({
        %run_scoped3A = tpu.sem_alloc : memref<!tpu.dma_semaphore, #tpu.memory_space<semaphore_mem>>
        %dma_start3A_53 = arith.constant 0 : i32
        %dma_start3A_54 = arith.constant 0 : i32
        %dma_start3A_55 = tpu.memref_slice %arg13[%dma_start3A_53, %dma_start3A_54] : memref<10112x128xf32, #tpu.memory_space<vmem_shared>> -> memref<10112x128xf32, #tpu.memory_space<vmem_shared>>
        tpu.enqueue_indirect_dma source(%arg12 : memref<128x128xf32, #tpu.memory_space<vmem>>) target(%dma_start3A_55 : memref<10112x128xf32, #tpu.memory_space<vmem_shared>>) offsets(%arg10 : memref<128xi32, #tpu.memory_space<vmem>>) semaphore(%run_scoped3A : memref<!tpu.dma_semaphore, #tpu.memory_space<semaphore_mem>>) {add = true}
        %dma_wait3A_56 = arith.constant 0 : i32
        %dma_wait3A_57 = arith.constant 0 : i32
        %dma_wait3A_58 = tpu.memref_slice %arg13[%dma_wait3A_56, %dma_wait3A_57] : memref<10112x128xf32, #tpu.memory_space<vmem_shared>> -> memref<10112x128xf32, #tpu.memory_space<vmem_shared>>
        tpu.wait_indirect_dma semaphore(%run_scoped3A : memref<!tpu.dma_semaphore, #tpu.memory_space<semaphore_mem>>) src(%arg12 : memref<128x128xf32, #tpu.memory_space<vmem>>) dst(%dma_wait3A_58 : memref<10112x128xf32, #tpu.memory_space<vmem_shared>>)
        tpu.yield
      }) : () -> ()
      %add3A_49 = arith.constant 256 : i32
      %add3A_50 = arith.addi %add3A_27, %add3A_49 : i32
      "tpu.region"() ({
        %run_scoped3A = tpu.sem_alloc : memref<!tpu.dma_semaphore, #tpu.memory_space<semaphore_mem>>
        %dma_start3A_53 = tpu.memref_slice %arg4[%add3A_50] : memref<323840xi32, #tpu.memory_space<hbm>> -> memref<128xi32, #tpu.memory_space<hbm>>
        %dma_start3A_54 = tpu.memref_slice %arg4[%add3A_50] : memref<323840xi32, #tpu.memory_space<hbm>> -> memref<128xi32, #tpu.memory_space<hbm>>
        tpu.enqueue_dma source(%dma_start3A_54 : memref<128xi32, #tpu.memory_space<hbm>>) target(%arg9 : memref<128xi32, #tpu.memory_space<vmem>>) target_semaphore(%run_scoped3A : memref<!tpu.dma_semaphore, #tpu.memory_space<semaphore_mem>>)
        %dma_wait3A_55 = tpu.memref_slice %arg4[%add3A_50] : memref<323840xi32, #tpu.memory_space<hbm>> -> memref<128xi32, #tpu.memory_space<hbm>>
        %dma_wait3A_56 = tpu.memref_slice %arg4[%add3A_50] : memref<323840xi32, #tpu.memory_space<hbm>> -> memref<128xi32, #tpu.memory_space<hbm>>
        tpu.wait_dma2 semaphore(%run_scoped3A : memref<!tpu.dma_semaphore, #tpu.memory_space<semaphore_mem>>) src(%dma_wait3A_56 : memref<128xi32, #tpu.memory_space<hbm>>) dst(%arg9 : memref<128xi32, #tpu.memory_space<vmem>>)
        tpu.yield
      }) : () -> ()
      %add3A_51 = arith.constant 384 : i32
      %add3A_52 = arith.addi %add3A_32, %add3A_51 : i32
      "tpu.region"() ({
        %run_scoped3A = tpu.sem_alloc : memref<!tpu.dma_semaphore, #tpu.memory_space<semaphore_mem>>
        %dma_start3A_53 = tpu.memref_slice %arg3[%add3A_52] : memref<647424xi32, #tpu.memory_space<hbm>> -> memref<128xi32, #tpu.memory_space<hbm>>
        %dma_start3A_54 = tpu.memref_slice %arg3[%add3A_52] : memref<647424xi32, #tpu.memory_space<hbm>> -> memref<128xi32, #tpu.memory_space<hbm>>
        tpu.enqueue_dma source(%dma_start3A_54 : memref<128xi32, #tpu.memory_space<hbm>>) target(%arg8 : memref<128xi32, #tpu.memory_space<vmem>>) target_semaphore(%run_scoped3A : memref<!tpu.dma_semaphore, #tpu.memory_space<semaphore_mem>>)
        %dma_wait3A_55 = tpu.memref_slice %arg3[%add3A_52] : memref<647424xi32, #tpu.memory_space<hbm>> -> memref<128xi32, #tpu.memory_space<hbm>>
        %dma_wait3A_56 = tpu.memref_slice %arg3[%add3A_52] : memref<647424xi32, #tpu.memory_space<hbm>> -> memref<128xi32, #tpu.memory_space<hbm>>
        tpu.wait_dma2 semaphore(%run_scoped3A : memref<!tpu.dma_semaphore, #tpu.memory_space<semaphore_mem>>) src(%dma_wait3A_56 : memref<128xi32, #tpu.memory_space<hbm>>) dst(%arg8 : memref<128xi32, #tpu.memory_space<vmem>>)
        tpu.yield
      }) : () -> ()
    }
    %scan3A_14 = arith.constant 79 : i32
    %dma_wait3A = arith.constant 0 : i32
    %dma_wait3A_15 = arith.constant 0 : i32
    %dma_wait3A_16 = tpu.memref_slice %arg2[%dma_wait3A, %dma_wait3A_15] : memref<20000x128xf32, #tpu.memory_space<hbm>> -> memref<20000x128xf32, #tpu.memory_space<hbm>>
    tpu.wait_indirect_dma semaphore(%arg14 : memref<!tpu.dma_semaphore, #tpu.memory_space<semaphore_mem>>) src(%dma_wait3A_16 : memref<20000x128xf32, #tpu.memory_space<hbm>>) dst(%arg11 : memref<128x128xf32, #tpu.memory_space<vmem>>)
    %barrier3A_17 = arith.constant 0 : index
    tpu.barrier barrier_id(%barrier3A_17)
    "tpu.region"() ({
      %run_scoped3A = tpu.sem_alloc : memref<!tpu.dma_semaphore, #tpu.memory_space<semaphore_mem>>
      %dma_start3A_18 = arith.constant 0 : i32
      %dma_start3A_19 = tpu.memref_slice %arg6[%arg0, %mul3A_0, %dma_start3A_18] : memref<2x10112x128xf32, #tpu.memory_space<hbm>> -> memref<1x632x128xf32, #tpu.memory_space<hbm>>
      %dma_start3A_20 = tpu.memref_squeeze %dma_start3A_19 : memref<1x632x128xf32, #tpu.memory_space<hbm>> -> memref<632x128xf32, #tpu.memory_space<hbm>>
      %dma_start3A_21 = arith.constant 0 : i32
      %dma_start3A_22 = tpu.memref_slice %arg13[%mul3A_0, %dma_start3A_21] : memref<10112x128xf32, #tpu.memory_space<vmem_shared>> -> memref<632x128xf32, #tpu.memory_space<vmem_shared>>
      tpu.enqueue_dma source(%dma_start3A_22 : memref<632x128xf32, #tpu.memory_space<vmem_shared>>) target(%dma_start3A_20 : memref<632x128xf32, #tpu.memory_space<hbm>>) target_semaphore(%run_scoped3A : memref<!tpu.dma_semaphore, #tpu.memory_space<semaphore_mem>>)
      %dma_wait3A_23 = arith.constant 0 : i32
      %dma_wait3A_24 = tpu.memref_slice %arg6[%arg0, %mul3A_0, %dma_wait3A_23] : memref<2x10112x128xf32, #tpu.memory_space<hbm>> -> memref<1x632x128xf32, #tpu.memory_space<hbm>>
      %dma_wait3A_25 = tpu.memref_squeeze %dma_wait3A_24 : memref<1x632x128xf32, #tpu.memory_space<hbm>> -> memref<632x128xf32, #tpu.memory_space<hbm>>
      %dma_wait3A_26 = arith.constant 0 : i32
      %dma_wait3A_27 = tpu.memref_slice %arg13[%mul3A_0, %dma_wait3A_26] : memref<10112x128xf32, #tpu.memory_space<vmem_shared>> -> memref<632x128xf32, #tpu.memory_space<vmem_shared>>
      tpu.wait_dma2 semaphore(%run_scoped3A : memref<!tpu.dma_semaphore, #tpu.memory_space<semaphore_mem>>) src(%dma_wait3A_27 : memref<632x128xf32, #tpu.memory_space<vmem_shared>>) dst(%dma_wait3A_25 : memref<632x128xf32, #tpu.memory_space<hbm>>)
      tpu.yield
    }) : () -> ()
    return
  }
}

#map = affine_map<(d0, d1) -> (0, 0)>
#map1 = affine_map<(d0, d1) -> (0)>
#map2 = affine_map<(d0, d1) -> (0, 0, 0)>
module attributes {stable_mosaic.version = 14 : i64} {
  func.func @gcn_edge_scatter(%arg0: i32, %arg1: i32, %arg2: memref<20000x128xf32, #tpu.memory_space<hbm>>, %arg3: memref<647424xi32, #tpu.memory_space<hbm>>, %arg4: memref<323840xi32, #tpu.memory_space<hbm>>, %arg5: memref<10112x128xf32, #tpu.memory_space<hbm>>, %arg6: memref<2x10112x128xf32, #tpu.memory_space<hbm>>, %arg7: memref<128xi32, #tpu.memory_space<vmem>>, %arg8: memref<128xi32, #tpu.memory_space<vmem>>, %arg9: memref<128xi32, #tpu.memory_space<vmem>>, %arg10: memref<128xi32, #tpu.memory_space<vmem>>, %arg11: memref<128x128xf32, #tpu.memory_space<vmem>>, %arg12: memref<128x128xf32, #tpu.memory_space<vmem>>, %arg13: memref<10112x128xf32, #tpu.memory_space<vmem_shared>>, %arg14: memref<!tpu.dma_semaphore, #tpu.memory_space<semaphore_mem>>) attributes {dimension_semantics = [#tpu.dimension_semantics<core_parallel>, #tpu.dimension_semantics<subcore_parallel>], iteration_bounds = array<i64: 2, 16>, scalar_prefetch = 0 : i64, scratch_operands = 8 : i64, tpu.core_type = #tpu.core_type<sc_vector_subcore>, window_params = [{transform_indices = #map}, {transform_indices = #map1}, {transform_indices = #map1}, {transform_indices = #map}, {transform_indices = #map2}]} {
    %mul3A = arith.constant 632 : i32
    %mul3A_0 = arith.muli %arg1, %mul3A : i32
    "tpu.region"() ({
      %run_scoped3A = tpu.sem_alloc : memref<!tpu.dma_semaphore, #tpu.memory_space<semaphore_mem>>
      %dma_start3A_18 = arith.constant 0 : i32
      %dma_start3A_19 = tpu.memref_slice %arg13[%mul3A_0, %dma_start3A_18] : memref<10112x128xf32, #tpu.memory_space<vmem_shared>> -> memref<632x128xf32, #tpu.memory_space<vmem_shared>>
      %dma_start3A_20 = arith.constant 0 : i32
      %dma_start3A_21 = tpu.memref_slice %arg5[%mul3A_0, %dma_start3A_20] : memref<10112x128xf32, #tpu.memory_space<hbm>> -> memref<632x128xf32, #tpu.memory_space<hbm>>
      tpu.enqueue_dma source(%dma_start3A_21 : memref<632x128xf32, #tpu.memory_space<hbm>>) target(%dma_start3A_19 : memref<632x128xf32, #tpu.memory_space<vmem_shared>>) target_semaphore(%run_scoped3A : memref<!tpu.dma_semaphore, #tpu.memory_space<semaphore_mem>>)
      %dma_wait3A_22 = arith.constant 0 : i32
      %dma_wait3A_23 = tpu.memref_slice %arg13[%mul3A_0, %dma_wait3A_22] : memref<10112x128xf32, #tpu.memory_space<vmem_shared>> -> memref<632x128xf32, #tpu.memory_space<vmem_shared>>
      %dma_wait3A_24 = arith.constant 0 : i32
      %dma_wait3A_25 = tpu.memref_slice %arg5[%mul3A_0, %dma_wait3A_24] : memref<10112x128xf32, #tpu.memory_space<hbm>> -> memref<632x128xf32, #tpu.memory_space<hbm>>
      tpu.wait_dma2 semaphore(%run_scoped3A : memref<!tpu.dma_semaphore, #tpu.memory_space<semaphore_mem>>) src(%dma_wait3A_25 : memref<632x128xf32, #tpu.memory_space<hbm>>) dst(%dma_wait3A_23 : memref<632x128xf32, #tpu.memory_space<vmem_shared>>)
      tpu.yield
    }) : () -> ()
    %barrier3A = arith.constant 0 : index
    tpu.barrier barrier_id(%barrier3A)
    %mul3A_1 = arith.constant 158 : i32
    %mul3A_2 = arith.muli %arg1, %mul3A_1 : i32
    %mul3A_3 = arith.constant 128 : i32
    %mul3A_4 = arith.muli %mul3A_2, %mul3A_3 : i32
    %mul3A_5 = arith.constant 323584 : i32
    %mul3A_6 = arith.muli %arg0, %mul3A_5 : i32
    %add3A = arith.addi %mul3A_6, %mul3A_4 : i32
    "tpu.region"() ({
      %run_scoped3A = tpu.sem_alloc : memref<!tpu.dma_semaphore, #tpu.memory_space<semaphore_mem>>
      %dma_start3A_18 = tpu.memref_slice %arg3[%add3A] : memref<647424xi32, #tpu.memory_space<hbm>> -> memref<128xi32, #tpu.memory_space<hbm>>
      %dma_start3A_19 = tpu.memref_slice %arg3[%add3A] : memref<647424xi32, #tpu.memory_space<hbm>> -> memref<128xi32, #tpu.memory_space<hbm>>
      tpu.enqueue_dma source(%dma_start3A_19 : memref<128xi32, #tpu.memory_space<hbm>>) target(%arg7 : memref<128xi32, #tpu.memory_space<vmem>>) target_semaphore(%run_scoped3A : memref<!tpu.dma_semaphore, #tpu.memory_space<semaphore_mem>>)
      %dma_wait3A_20 = tpu.memref_slice %arg3[%add3A] : memref<647424xi32, #tpu.memory_space<hbm>> -> memref<128xi32, #tpu.memory_space<hbm>>
      %dma_wait3A_21 = tpu.memref_slice %arg3[%add3A] : memref<647424xi32, #tpu.memory_space<hbm>> -> memref<128xi32, #tpu.memory_space<hbm>>
      tpu.wait_dma2 semaphore(%run_scoped3A : memref<!tpu.dma_semaphore, #tpu.memory_space<semaphore_mem>>) src(%dma_wait3A_21 : memref<128xi32, #tpu.memory_space<hbm>>) dst(%arg7 : memref<128xi32, #tpu.memory_space<vmem>>)
      tpu.yield
    }) : () -> ()
    %dma_start3A = arith.constant 0 : i32
    %dma_start3A_7 = arith.constant 0 : i32
    %dma_start3A_8 = tpu.memref_slice %arg2[%dma_start3A, %dma_start3A_7] : memref<20000x128xf32, #tpu.memory_space<hbm>> -> memref<20000x128xf32, #tpu.memory_space<hbm>>
    tpu.enqueue_indirect_dma source(%dma_start3A_8 : memref<20000x128xf32, #tpu.memory_space<hbm>>) target(%arg11 : memref<128x128xf32, #tpu.memory_space<vmem>>) offsets(%arg7 : memref<128xi32, #tpu.memory_space<vmem>>) semaphore(%arg14 : memref<!tpu.dma_semaphore, #tpu.memory_space<semaphore_mem>>)
    "tpu.region"() ({
      %run_scoped3A = tpu.sem_alloc : memref<!tpu.dma_semaphore, #tpu.memory_space<semaphore_mem>>
      %dma_start3A_18 = tpu.memref_slice %arg4[%mul3A_4] : memref<323840xi32, #tpu.memory_space<hbm>> -> memref<128xi32, #tpu.memory_space<hbm>>
      %dma_start3A_19 = tpu.memref_slice %arg4[%mul3A_4] : memref<323840xi32, #tpu.memory_space<hbm>> -> memref<128xi32, #tpu.memory_space<hbm>>
      tpu.enqueue_dma source(%dma_start3A_19 : memref<128xi32, #tpu.memory_space<hbm>>) target(%arg9 : memref<128xi32, #tpu.memory_space<vmem>>) target_semaphore(%run_scoped3A : memref<!tpu.dma_semaphore, #tpu.memory_space<semaphore_mem>>)
      %dma_wait3A_20 = tpu.memref_slice %arg4[%mul3A_4] : memref<323840xi32, #tpu.memory_space<hbm>> -> memref<128xi32, #tpu.memory_space<hbm>>
      %dma_wait3A_21 = tpu.memref_slice %arg4[%mul3A_4] : memref<323840xi32, #tpu.memory_space<hbm>> -> memref<128xi32, #tpu.memory_space<hbm>>
      tpu.wait_dma2 semaphore(%run_scoped3A : memref<!tpu.dma_semaphore, #tpu.memory_space<semaphore_mem>>) src(%dma_wait3A_21 : memref<128xi32, #tpu.memory_space<hbm>>) dst(%arg9 : memref<128xi32, #tpu.memory_space<vmem>>)
      tpu.yield
    }) : () -> ()
    %add3A_9 = arith.constant 128 : i32
    %add3A_10 = arith.addi %add3A, %add3A_9 : i32
    "tpu.region"() ({
      %run_scoped3A = tpu.sem_alloc : memref<!tpu.dma_semaphore, #tpu.memory_space<semaphore_mem>>
      %dma_start3A_18 = tpu.memref_slice %arg3[%add3A_10] : memref<647424xi32, #tpu.memory_space<hbm>> -> memref<128xi32, #tpu.memory_space<hbm>>
      %dma_start3A_19 = tpu.memref_slice %arg3[%add3A_10] : memref<647424xi32, #tpu.memory_space<hbm>> -> memref<128xi32, #tpu.memory_space<hbm>>
      tpu.enqueue_dma source(%dma_start3A_19 : memref<128xi32, #tpu.memory_space<hbm>>) target(%arg8 : memref<128xi32, #tpu.memory_space<vmem>>) target_semaphore(%run_scoped3A : memref<!tpu.dma_semaphore, #tpu.memory_space<semaphore_mem>>)
      %dma_wait3A_20 = tpu.memref_slice %arg3[%add3A_10] : memref<647424xi32, #tpu.memory_space<hbm>> -> memref<128xi32, #tpu.memory_space<hbm>>
      %dma_wait3A_21 = tpu.memref_slice %arg3[%add3A_10] : memref<647424xi32, #tpu.memory_space<hbm>> -> memref<128xi32, #tpu.memory_space<hbm>>
      tpu.wait_dma2 semaphore(%run_scoped3A : memref<!tpu.dma_semaphore, #tpu.memory_space<semaphore_mem>>) src(%dma_wait3A_21 : memref<128xi32, #tpu.memory_space<hbm>>) dst(%arg8 : memref<128xi32, #tpu.memory_space<vmem>>)
      tpu.yield
    }) : () -> ()
    %scan3A = arith.constant 0 : i32
    %scan3A_11 = arith.constant 79 : i32
    %scan3A_12 = arith.addi %scan3A, %scan3A_11 : i32
    %scan3A_13 = arith.constant 1 : i32
    scf.for %scan3A_18 = %scan3A to %scan3A_12 step %scan3A_13  : i32 {
      %mul3A_19 = arith.constant 1 : i32
      %mul3A_20 = arith.muli %scan3A_18, %mul3A_19 : i32
      %add3A_21 = arith.constant 0 : i32
      %add3A_22 = arith.addi %add3A_21, %mul3A_20 : i32
      %mul3A_23 = arith.constant 2 : i32
      %mul3A_24 = arith.muli %mul3A_23, %add3A_22 : i32
      %mul3A_25 = arith.constant 128 : i32
      %mul3A_26 = arith.muli %mul3A_24, %mul3A_25 : i32
      %add3A_27 = arith.addi %mul3A_4, %mul3A_26 : i32
      %mul3A_28 = arith.constant 2 : i32
      %mul3A_29 = arith.muli %mul3A_28, %add3A_22 : i32
      %mul3A_30 = arith.constant 128 : i32
      %mul3A_31 = arith.muli %mul3A_29, %mul3A_30 : i32
      %add3A_32 = arith.addi %add3A, %mul3A_31 : i32
      %dma_wait3A_33 = arith.constant 0 : i32
      %dma_wait3A_34 = arith.constant 0 : i32
      %dma_wait3A_35 = tpu.memref_slice %arg2[%dma_wait3A_33, %dma_wait3A_34] : memref<20000x128xf32, #tpu.memory_space<hbm>> -> memref<20000x128xf32, #tpu.memory_space<hbm>>
      tpu.wait_indirect_dma semaphore(%arg14 : memref<!tpu.dma_semaphore, #tpu.memory_space<semaphore_mem>>) src(%dma_wait3A_35 : memref<20000x128xf32, #tpu.memory_space<hbm>>) dst(%arg11 : memref<128x128xf32, #tpu.memory_space<vmem>>)
      %dma_start3A_36 = arith.constant 0 : i32
      %dma_start3A_37 = arith.constant 0 : i32
      %dma_start3A_38 = tpu.memref_slice %arg2[%dma_start3A_36, %dma_start3A_37] : memref<20000x128xf32, #tpu.memory_space<hbm>> -> memref<20000x128xf32, #tpu.memory_space<hbm>>
      tpu.enqueue_indirect_dma source(%dma_start3A_38 : memref<20000x128xf32, #tpu.memory_space<hbm>>) target(%arg12 : memref<128x128xf32, #tpu.memory_space<vmem>>) offsets(%arg8 : memref<128xi32, #tpu.memory_space<vmem>>) semaphore(%arg14 : memref<!tpu.dma_semaphore, #tpu.memory_space<semaphore_mem>>)
      "tpu.region"() ({
        %run_scoped3A = tpu.sem_alloc : memref<!tpu.dma_semaphore, #tpu.memory_space<semaphore_mem>>
        %dma_start3A_53 = arith.constant 0 : i32
        %dma_start3A_54 = arith.constant 0 : i32
        %dma_start3A_55 = tpu.memref_slice %arg13[%dma_start3A_53, %dma_start3A_54] : memref<10112x128xf32, #tpu.memory_space<vmem_shared>> -> memref<10112x128xf32, #tpu.memory_space<vmem_shared>>
        tpu.enqueue_indirect_dma source(%arg11 : memref<128x128xf32, #tpu.memory_space<vmem>>) target(%dma_start3A_55 : memref<10112x128xf32, #tpu.memory_space<vmem_shared>>) offsets(%arg9 : memref<128xi32, #tpu.memory_space<vmem>>) semaphore(%run_scoped3A : memref<!tpu.dma_semaphore, #tpu.memory_space<semaphore_mem>>) {add = true}
        %dma_wait3A_56 = arith.constant 0 : i32
        %dma_wait3A_57 = arith.constant 0 : i32
        %dma_wait3A_58 = tpu.memref_slice %arg13[%dma_wait3A_56, %dma_wait3A_57] : memref<10112x128xf32, #tpu.memory_space<vmem_shared>> -> memref<10112x128xf32, #tpu.memory_space<vmem_shared>>
        tpu.wait_indirect_dma semaphore(%run_scoped3A : memref<!tpu.dma_semaphore, #tpu.memory_space<semaphore_mem>>) src(%arg11 : memref<128x128xf32, #tpu.memory_space<vmem>>) dst(%dma_wait3A_58 : memref<10112x128xf32, #tpu.memory_space<vmem_shared>>)
        tpu.yield
      }) : () -> ()
      %add3A_39 = arith.constant 128 : i32
      %add3A_40 = arith.addi %add3A_27, %add3A_39 : i32
      "tpu.region"() ({
        %run_scoped3A = tpu.sem_alloc : memref<!tpu.dma_semaphore, #tpu.memory_space<semaphore_mem>>
        %dma_start3A_53 = tpu.memref_slice %arg4[%add3A_40] : memref<323840xi32, #tpu.memory_space<hbm>> -> memref<128xi32, #tpu.memory_space<hbm>>
        %dma_start3A_54 = tpu.memref_slice %arg4[%add3A_40] : memref<323840xi32, #tpu.memory_space<hbm>> -> memref<128xi32, #tpu.memory_space<hbm>>
        tpu.enqueue_dma source(%dma_start3A_54 : memref<128xi32, #tpu.memory_space<hbm>>) target(%arg10 : memref<128xi32, #tpu.memory_space<vmem>>) target_semaphore(%run_scoped3A : memref<!tpu.dma_semaphore, #tpu.memory_space<semaphore_mem>>)
        %dma_wait3A_55 = tpu.memref_slice %arg4[%add3A_40] : memref<323840xi32, #tpu.memory_space<hbm>> -> memref<128xi32, #tpu.memory_space<hbm>>
        %dma_wait3A_56 = tpu.memref_slice %arg4[%add3A_40] : memref<323840xi32, #tpu.memory_space<hbm>> -> memref<128xi32, #tpu.memory_space<hbm>>
        tpu.wait_dma2 semaphore(%run_scoped3A : memref<!tpu.dma_semaphore, #tpu.memory_space<semaphore_mem>>) src(%dma_wait3A_56 : memref<128xi32, #tpu.memory_space<hbm>>) dst(%arg10 : memref<128xi32, #tpu.memory_space<vmem>>)
        tpu.yield
      }) : () -> ()
      %add3A_41 = arith.constant 256 : i32
      %add3A_42 = arith.addi %add3A_32, %add3A_41 : i32
      "tpu.region"() ({
        %run_scoped3A = tpu.sem_alloc : memref<!tpu.dma_semaphore, #tpu.memory_space<semaphore_mem>>
        %dma_start3A_53 = tpu.memref_slice %arg3[%add3A_42] : memref<647424xi32, #tpu.memory_space<hbm>> -> memref<128xi32, #tpu.memory_space<hbm>>
        %dma_start3A_54 = tpu.memref_slice %arg3[%add3A_42] : memref<647424xi32, #tpu.memory_space<hbm>> -> memref<128xi32, #tpu.memory_space<hbm>>
        tpu.enqueue_dma source(%dma_start3A_54 : memref<128xi32, #tpu.memory_space<hbm>>) target(%arg7 : memref<128xi32, #tpu.memory_space<vmem>>) target_semaphore(%run_scoped3A : memref<!tpu.dma_semaphore, #tpu.memory_space<semaphore_mem>>)
        %dma_wait3A_55 = tpu.memref_slice %arg3[%add3A_42] : memref<647424xi32, #tpu.memory_space<hbm>> -> memref<128xi32, #tpu.memory_space<hbm>>
        %dma_wait3A_56 = tpu.memref_slice %arg3[%add3A_42] : memref<647424xi32, #tpu.memory_space<hbm>> -> memref<128xi32, #tpu.memory_space<hbm>>
        tpu.wait_dma2 semaphore(%run_scoped3A : memref<!tpu.dma_semaphore, #tpu.memory_space<semaphore_mem>>) src(%dma_wait3A_56 : memref<128xi32, #tpu.memory_space<hbm>>) dst(%arg7 : memref<128xi32, #tpu.memory_space<vmem>>)
        tpu.yield
      }) : () -> ()
      %dma_wait3A_43 = arith.constant 0 : i32
      %dma_wait3A_44 = arith.constant 0 : i32
      %dma_wait3A_45 = tpu.memref_slice %arg2[%dma_wait3A_43, %dma_wait3A_44] : memref<20000x128xf32, #tpu.memory_space<hbm>> -> memref<20000x128xf32, #tpu.memory_space<hbm>>
      tpu.wait_indirect_dma semaphore(%arg14 : memref<!tpu.dma_semaphore, #tpu.memory_space<semaphore_mem>>) src(%dma_wait3A_45 : memref<20000x128xf32, #tpu.memory_space<hbm>>) dst(%arg12 : memref<128x128xf32, #tpu.memory_space<vmem>>)
      %dma_start3A_46 = arith.constant 0 : i32
      %dma_start3A_47 = arith.constant 0 : i32
      %dma_start3A_48 = tpu.memref_slice %arg2[%dma_start3A_46, %dma_start3A_47] : memref<20000x128xf32, #tpu.memory_space<hbm>> -> memref<20000x128xf32, #tpu.memory_space<hbm>>
      tpu.enqueue_indirect_dma source(%dma_start3A_48 : memref<20000x128xf32, #tpu.memory_space<hbm>>) target(%arg11 : memref<128x128xf32, #tpu.memory_space<vmem>>) offsets(%arg7 : memref<128xi32, #tpu.memory_space<vmem>>) semaphore(%arg14 : memref<!tpu.dma_semaphore, #tpu.memory_space<semaphore_mem>>)
      "tpu.region"() ({
        %run_scoped3A = tpu.sem_alloc : memref<!tpu.dma_semaphore, #tpu.memory_space<semaphore_mem>>
        %dma_start3A_53 = arith.constant 0 : i32
        %dma_start3A_54 = arith.constant 0 : i32
        %dma_start3A_55 = tpu.memref_slice %arg13[%dma_start3A_53, %dma_start3A_54] : memref<10112x128xf32, #tpu.memory_space<vmem_shared>> -> memref<10112x128xf32, #tpu.memory_space<vmem_shared>>
        tpu.enqueue_indirect_dma source(%arg12 : memref<128x128xf32, #tpu.memory_space<vmem>>) target(%dma_start3A_55 : memref<10112x128xf32, #tpu.memory_space<vmem_shared>>) offsets(%arg10 : memref<128xi32, #tpu.memory_space<vmem>>) semaphore(%run_scoped3A : memref<!tpu.dma_semaphore, #tpu.memory_space<semaphore_mem>>) {add = true}
        %dma_wait3A_56 = arith.constant 0 : i32
        %dma_wait3A_57 = arith.constant 0 : i32
        %dma_wait3A_58 = tpu.memref_slice %arg13[%dma_wait3A_56, %dma_wait3A_57] : memref<10112x128xf32, #tpu.memory_space<vmem_shared>> -> memref<10112x128xf32, #tpu.memory_space<vmem_shared>>
        tpu.wait_indirect_dma semaphore(%run_scoped3A : memref<!tpu.dma_semaphore, #tpu.memory_space<semaphore_mem>>) src(%arg12 : memref<128x128xf32, #tpu.memory_space<vmem>>) dst(%dma_wait3A_58 : memref<10112x128xf32, #tpu.memory_space<vmem_shared>>)
        tpu.yield
      }) : () -> ()
      %add3A_49 = arith.constant 256 : i32
      %add3A_50 = arith.addi %add3A_27, %add3A_49 : i32
      "tpu.region"() ({
        %run_scoped3A = tpu.sem_alloc : memref<!tpu.dma_semaphore, #tpu.memory_space<semaphore_mem>>
        %dma_start3A_53 = tpu.memref_slice %arg4[%add3A_50] : memref<323840xi32, #tpu.memory_space<hbm>> -> memref<128xi32, #tpu.memory_space<hbm>>
        %dma_start3A_54 = tpu.memref_slice %arg4[%add3A_50] : memref<323840xi32, #tpu.memory_space<hbm>> -> memref<128xi32, #tpu.memory_space<hbm>>
        tpu.enqueue_dma source(%dma_start3A_54 : memref<128xi32, #tpu.memory_space<hbm>>) target(%arg9 : memref<128xi32, #tpu.memory_space<vmem>>) target_semaphore(%run_scoped3A : memref<!tpu.dma_semaphore, #tpu.memory_space<semaphore_mem>>)
        %dma_wait3A_55 = tpu.memref_slice %arg4[%add3A_50] : memref<323840xi32, #tpu.memory_space<hbm>> -> memref<128xi32, #tpu.memory_space<hbm>>
        %dma_wait3A_56 = tpu.memref_slice %arg4[%add3A_50] : memref<323840xi32, #tpu.memory_space<hbm>> -> memref<128xi32, #tpu.memory_space<hbm>>
        tpu.wait_dma2 semaphore(%run_scoped3A : memref<!tpu.dma_semaphore, #tpu.memory_space<semaphore_mem>>) src(%dma_wait3A_56 : memref<128xi32, #tpu.memory_space<hbm>>) dst(%arg9 : memref<128xi32, #tpu.memory_space<vmem>>)
        tpu.yield
      }) : () -> ()
      %add3A_51 = arith.constant 384 : i32
      %add3A_52 = arith.addi %add3A_32, %add3A_51 : i32
      "tpu.region"() ({
        %run_scoped3A = tpu.sem_alloc : memref<!tpu.dma_semaphore, #tpu.memory_space<semaphore_mem>>
        %dma_start3A_53 = tpu.memref_slice %arg3[%add3A_52] : memref<647424xi32, #tpu.memory_space<hbm>> -> memref<128xi32, #tpu.memory_space<hbm>>
        %dma_start3A_54 = tpu.memref_slice %arg3[%add3A_52] : memref<647424xi32, #tpu.memory_space<hbm>> -> memref<128xi32, #tpu.memory_space<hbm>>
        tpu.enqueue_dma source(%dma_start3A_54 : memref<128xi32, #tpu.memory_space<hbm>>) target(%arg8 : memref<128xi32, #tpu.memory_space<vmem>>) target_semaphore(%run_scoped3A : memref<!tpu.dma_semaphore, #tpu.memory_space<semaphore_mem>>)
        %dma_wait3A_55 = tpu.memref_slice %arg3[%add3A_52] : memref<647424xi32, #tpu.memory_space<hbm>> -> memref<128xi32, #tpu.memory_space<hbm>>
        %dma_wait3A_56 = tpu.memref_slice %arg3[%add3A_52] : memref<647424xi32, #tpu.memory_space<hbm>> -> memref<128xi32, #tpu.memory_space<hbm>>
        tpu.wait_dma2 semaphore(%run_scoped3A : memref<!tpu.dma_semaphore, #tpu.memory_space<semaphore_mem>>) src(%dma_wait3A_56 : memref<128xi32, #tpu.memory_space<hbm>>) dst(%arg8 : memref<128xi32, #tpu.memory_space<vmem>>)
        tpu.yield
      }) : () -> ()
    }
    %scan3A_14 = arith.constant 79 : i32
    %dma_wait3A = arith.constant 0 : i32
    %dma_wait3A_15 = arith.constant 0 : i32
    %dma_wait3A_16 = tpu.memref_slice %arg2[%dma_wait3A, %dma_wait3A_15] : memref<20000x128xf32, #tpu.memory_space<hbm>> -> memref<20000x128xf32, #tpu.memory_space<hbm>>
    tpu.wait_indirect_dma semaphore(%arg14 : memref<!tpu.dma_semaphore, #tpu.memory_space<semaphore_mem>>) src(%dma_wait3A_16 : memref<20000x128xf32, #tpu.memory_space<hbm>>) dst(%arg11 : memref<128x128xf32, #tpu.memory_space<vmem>>)
    %barrier3A_17 = arith.constant 0 : index
    tpu.barrier barrier_id(%barrier3A_17)
    "tpu.region"() ({
      %run_scoped3A = tpu.sem_alloc : memref<!tpu.dma_semaphore, #tpu.memory_space<semaphore_mem>>
      %dma_start3A_18 = arith.constant 0 : i32
      %dma_start3A_19 = tpu.memref_slice %arg6[%arg0, %mul3A_0, %dma_start3A_18] : memref<2x10112x128xf32, #tpu.memory_space<hbm>> -> memref<1x632x128xf32, #tpu.memory_space<hbm>>
      %dma_start3A_20 = tpu.memref_squeeze %dma_start3A_19 : memref<1x632x128xf32, #tpu.memory_space<hbm>> -> memref<632x128xf32, #tpu.memory_space<hbm>>
      %dma_start3A_21 = arith.constant 0 : i32
      %dma_start3A_22 = tpu.memref_slice %arg13[%mul3A_0, %dma_start3A_21] : memref<10112x128xf32, #tpu.memory_space<vmem_shared>> -> memref<632x128xf32, #tpu.memory_space<vmem_shared>>
      tpu.enqueue_dma source(%dma_start3A_22 : memref<632x128xf32, #tpu.memory_space<vmem_shared>>) target(%dma_start3A_20 : memref<632x128xf32, #tpu.memory_space<hbm>>) target_semaphore(%run_scoped3A : memref<!tpu.dma_semaphore, #tpu.memory_space<semaphore_mem>>)
      %dma_wait3A_23 = arith.constant 0 : i32
      %dma_wait3A_24 = tpu.memref_slice %arg6[%arg0, %mul3A_0, %dma_wait3A_23] : memref<2x10112x128xf32, #tpu.memory_space<hbm>> -> memref<1x632x128xf32, #tpu.memory_space<hbm>>
      %dma_wait3A_25 = tpu.memref_squeeze %dma_wait3A_24 : memref<1x632x128xf32, #tpu.memory_space<hbm>> -> memref<632x128xf32, #tpu.memory_space<hbm>>
      %dma_wait3A_26 = arith.constant 0 : i32
      %dma_wait3A_27 = tpu.memref_slice %arg13[%mul3A_0, %dma_wait3A_26] : memref<10112x128xf32, #tpu.memory_space<vmem_shared>> -> memref<632x128xf32, #tpu.memory_space<vmem_shared>>
      tpu.wait_dma2 semaphore(%run_scoped3A : memref<!tpu.dma_semaphore, #tpu.memory_space<semaphore_mem>>) src(%dma_wait3A_27 : memref<632x128xf32, #tpu.memory_space<vmem_shared>>) dst(%dma_wait3A_25 : memref<632x128xf32, #tpu.memory_space<hbm>>)
      tpu.yield
    }) : () -> ()
    return
  }
}

module attributes {stable_mosaic.version = 14 : i64} {
  func.func @gcn_tc1(%arg0: i32, %arg1: memref<2000x128xf32, #tpu.memory_space<vmem>>, %arg2: memref<128x256xf32, #tpu.memory_space<vmem>>, %arg3: memref<2000x1xf32, #tpu.memory_space<vmem>>, %arg4: memref<2000x1xf32, #tpu.memory_space<vmem>>, %arg5: memref<2x2000x128xf32, #tpu.memory_space<vmem>>) attributes {dimension_semantics = [#tpu.dimension_semantics<arbitrary>], iteration_bounds = array<i64: 5>, scalar_prefetch = 0 : i64, scratch_operands = 0 : i64, tpu.core_type = #tpu.core_type<tc>, window_params = [{transform_indices = @transform_0, window_bounds = array<i64: 2000, 128>}, {pipeline_mode = #tpu.pipeline_mode<synchronous>, transform_indices = @transform_1, window_bounds = array<i64: 128, 256>}, {transform_indices = @transform_2, window_bounds = array<i64: 2000, 1>}, {transform_indices = @transform_3, window_bounds = array<i64: 2000, 1>}, {transform_indices = @transform_4, window_bounds = array<i64: 2, 2000, 128>}]} {
    %get3A = arith.constant 0 : index
    %get3A_0 = arith.constant 0 : index
    %get3A_1 = vector.load %arg3[%get3A, %get3A_0] : memref<2000x1xf32, #tpu.memory_space<vmem>>, vector<2000x1xf32>
    %get3A_2 = arith.constant 0 : index
    %get3A_3 = arith.constant 0 : index
    %get3A_4 = vector.load %arg4[%get3A_2, %get3A_3] : memref<2000x1xf32, #tpu.memory_space<vmem>>, vector<2000x1xf32>
    %add3A = arith.addf %get3A_1, %get3A_4 : vector<2000x1xf32>
    %add3A_5 = arith.constant 1.000000e+00 : f32
    %add3A_6 = vector.broadcast %add3A_5 : f32 to vector<2000x1xf32>
    %add3A_7 = arith.addf %add3A, %add3A_6 : vector<2000x1xf32>
    %rsqrt3A = math.rsqrt %add3A_7 : vector<2000x1xf32>
    %get3A_8 = arith.constant 0 : index
    %get3A_9 = arith.constant 0 : index
    %get3A_10 = vector.load %arg1[%get3A_8, %get3A_9] : memref<2000x128xf32, #tpu.memory_space<vmem>>, vector<2000x128xf32>
    %get3A_11 = arith.constant 0 : index
    %get3A_12 = arith.constant 0 : index
    %get3A_13 = vector.load %arg2[%get3A_11, %get3A_12] : memref<128x256xf32, #tpu.memory_space<vmem>>, vector<128x256xf32>
    %dot_general3A = arith.constant dense<0.000000e+00> : vector<2000x256xf32>
    %dot_general3A_14 = tpu.matmul %get3A_10, %get3A_13, %dot_general3A {dimension_numbers = #tpu.dot_dimension_numbers<[1], [0], [0], [1], [0, 0, 1, 1], [], []>, precision = #tpu.contract_precision<fp32>, transpose_lhs_hint = false} : vector<2000x128xf32>, vector<128x256xf32>, vector<2000x256xf32> -> vector<2000x256xf32>
    %mul3A = vector.broadcast %rsqrt3A : vector<2000x1xf32> to vector<2000x256xf32>
    %mul3A_15 = arith.mulf %dot_general3A_14, %mul3A : vector<2000x256xf32>
    %slice3A = vector.extract_strided_slice %mul3A_15 {offsets = [0, 0], sizes = [2000, 128], strides = [1, 1]} : vector<2000x256xf32> to vector<2000x128xf32>
    %swap3A = arith.constant 0 : index
    %swap3A_16 = arith.constant 0 : index
    %swap3A_17 = arith.constant 0 : index
    %swap3A_18 = vector.load %arg5[%swap3A, %swap3A_16, %swap3A_17] : memref<2x2000x128xf32, #tpu.memory_space<vmem>>, vector<1x2000x128xf32>
    %swap3A_19 = vector.shape_cast %swap3A_18 : vector<1x2000x128xf32> to vector<2000x128xf32>
    %swap3A_20 = vector.shape_cast %slice3A : vector<2000x128xf32> to vector<1x2000x128xf32>
    tpu.vector_store %arg5[%swap3A, %swap3A_16, %swap3A_17], %swap3A_20 {strides = array<i32>} : memref<2x2000x128xf32, #tpu.memory_space<vmem>>, vector<1x2000x128xf32>,
    %slice3A_21 = vector.extract_strided_slice %mul3A_15 {offsets = [0, 128], sizes = [2000, 128], strides = [1, 1]} : vector<2000x256xf32> to vector<2000x128xf32>
    %swap3A_22 = arith.constant 1 : index
    %swap3A_23 = arith.constant 0 : index
    %swap3A_24 = arith.constant 0 : index
    %swap3A_25 = vector.load %arg5[%swap3A_22, %swap3A_23, %swap3A_24] : memref<2x2000x128xf32, #tpu.memory_space<vmem>>, vector<1x2000x128xf32>
    %swap3A_26 = vector.shape_cast %swap3A_25 : vector<1x2000x128xf32> to vector<2000x128xf32>
    %swap3A_27 = vector.shape_cast %slice3A_21 : vector<2000x128xf32> to vector<1x2000x128xf32>
    tpu.vector_store %arg5[%swap3A_22, %swap3A_23, %swap3A_24], %swap3A_27 {strides = array<i32>} : memref<2x2000x128xf32, #tpu.memory_space<vmem>>, vector<1x2000x128xf32>,
    return
  }
  func.func @transform_0(%arg0: i32) -> (i32, i32) {
    %c0_i32 = arith.constant 0 : i32
    %c0_i32_0 = arith.constant 0 : i32
    return %arg0, %c0_i32 : i32, i32
  }
  func.func @transform_1(%arg0: i32) -> (i32, i32) {
    %c0_i32 = arith.constant 0 : i32
    %c0_i32_0 = arith.constant 0 : i32
    %c0_i32_1 = arith.constant 0 : i32
    return %c0_i32, %c0_i32_0 : i32, i32
  }
  func.func @transform_2(%arg0: i32) -> (i32, i32) {
    %c0_i32 = arith.constant 0 : i32
    %c0_i32_0 = arith.constant 0 : i32
    return %arg0, %c0_i32 : i32, i32
  }
  func.func @transform_3(%arg0: i32) -> (i32, i32) {
    %c0_i32 = arith.constant 0 : i32
    %c0_i32_0 = arith.constant 0 : i32
    return %arg0, %c0_i32 : i32, i32
  }
  func.func @transform_4(%arg0: i32) -> (i32, i32, i32) {
    %c0_i32 = arith.constant 0 : i32
    %c0_i32_0 = arith.constant 0 : i32
    %c0_i32_1 = arith.constant 0 : i32
    return %c0_i32, %arg0, %c0_i32_0 : i32, i32, i32
  }
}

module attributes {stable_mosaic.version = 14 : i64} {
  func.func @gcn_tcmid(%arg0: i32, %arg1: memref<2000x128xf32, #tpu.memory_space<vmem>>, %arg2: memref<2000x128xf32, #tpu.memory_space<vmem>>, %arg3: memref<2000x128xf32, #tpu.memory_space<vmem>>, %arg4: memref<2000x128xf32, #tpu.memory_space<vmem>>, %arg5: memref<2000x1xf32, #tpu.memory_space<vmem>>, %arg6: memref<2000x1xf32, #tpu.memory_space<vmem>>, %arg7: memref<1x256xf32, #tpu.memory_space<vmem>>, %arg8: memref<256x256xf32, #tpu.memory_space<vmem>>, %arg9: memref<2x2000x128xf32, #tpu.memory_space<vmem>>) attributes {dimension_semantics = [#tpu.dimension_semantics<arbitrary>], iteration_bounds = array<i64: 5>, scalar_prefetch = 0 : i64, scratch_operands = 0 : i64, tpu.core_type = #tpu.core_type<tc>, window_params = [{transform_indices = @transform_0, window_bounds = array<i64: 2000, 128>}, {transform_indices = @transform_1, window_bounds = array<i64: 2000, 128>}, {transform_indices = @transform_2, window_bounds = array<i64: 2000, 128>}, {transform_indices = @transform_3, window_bounds = array<i64: 2000, 128>}, {transform_indices = @transform_4, window_bounds = array<i64: 2000, 1>}, {transform_indices = @transform_5, window_bounds = array<i64: 2000, 1>}, {pipeline_mode = #tpu.pipeline_mode<synchronous>, transform_indices = @transform_6, window_bounds = array<i64: 1, 256>}, {pipeline_mode = #tpu.pipeline_mode<synchronous>, transform_indices = @transform_7, window_bounds = array<i64: 256, 256>}, {transform_indices = @transform_8, window_bounds = array<i64: 2, 2000, 128>}]} {
    %get3A = arith.constant 0 : index
    %get3A_0 = arith.constant 0 : index
    %get3A_1 = vector.load %arg5[%get3A, %get3A_0] : memref<2000x1xf32, #tpu.memory_space<vmem>>, vector<2000x1xf32>
    %get3A_2 = arith.constant 0 : index
    %get3A_3 = arith.constant 0 : index
    %get3A_4 = vector.load %arg6[%get3A_2, %get3A_3] : memref<2000x1xf32, #tpu.memory_space<vmem>>, vector<2000x1xf32>
    %add3A = arith.addf %get3A_1, %get3A_4 : vector<2000x1xf32>
    %add3A_5 = arith.constant 1.000000e+00 : f32
    %add3A_6 = vector.broadcast %add3A_5 : f32 to vector<2000x1xf32>
    %add3A_7 = arith.addf %add3A, %add3A_6 : vector<2000x1xf32>
    %rsqrt3A = math.rsqrt %add3A_7 : vector<2000x1xf32>
    %get3A_8 = arith.constant 0 : index
    %get3A_9 = arith.constant 0 : index
    %get3A_10 = vector.load %arg1[%get3A_8, %get3A_9] : memref<2000x128xf32, #tpu.memory_space<vmem>>, vector<2000x128xf32>
    %get3A_11 = arith.constant 0 : index
    %get3A_12 = arith.constant 0 : index
    %get3A_13 = vector.load %arg3[%get3A_11, %get3A_12] : memref<2000x128xf32, #tpu.memory_space<vmem>>, vector<2000x128xf32>
    %add3A_14 = arith.addf %get3A_10, %get3A_13 : vector<2000x128xf32>
    %get3A_15 = arith.constant 0 : index
    %get3A_16 = arith.constant 0 : index
    %get3A_17 = vector.load %arg2[%get3A_15, %get3A_16] : memref<2000x128xf32, #tpu.memory_space<vmem>>, vector<2000x128xf32>
    %get3A_18 = arith.constant 0 : index
    %get3A_19 = arith.constant 0 : index
    %get3A_20 = vector.load %arg4[%get3A_18, %get3A_19] : memref<2000x128xf32, #tpu.memory_space<vmem>>, vector<2000x128xf32>
    %add3A_21 = arith.addf %get3A_17, %get3A_20 : vector<2000x128xf32>
    %concatenate3A = tpu.concatenate %add3A_14, %add3A_21 in 1 : vector<2000x128xf32>, vector<2000x128xf32> -> vector<2000x256xf32>
    %mul3A = vector.broadcast %rsqrt3A : vector<2000x1xf32> to vector<2000x256xf32>
    %mul3A_22 = arith.mulf %mul3A, %concatenate3A : vector<2000x256xf32>
    %get3A_23 = arith.constant 0 : index
    %get3A_24 = arith.constant 0 : index
    %get3A_25 = vector.load %arg7[%get3A_23, %get3A_24] : memref<1x256xf32, #tpu.memory_space<vmem>>, vector<1x256xf32>
    %add3A_26 = vector.broadcast %get3A_25 : vector<1x256xf32> to vector<2000x256xf32>
    %add3A_27 = arith.addf %mul3A_22, %add3A_26 : vector<2000x256xf32>
    %max3A = arith.constant 0.000000e+00 : f32
    %max3A_28 = vector.broadcast %max3A : f32 to vector<2000x256xf32>
    %max3A_29 = arith.maximumf %add3A_27, %max3A_28 : vector<2000x256xf32>
    %get3A_30 = arith.constant 0 : index
    %get3A_31 = arith.constant 0 : index
    %get3A_32 = vector.load %arg8[%get3A_30, %get3A_31] : memref<256x256xf32, #tpu.memory_space<vmem>>, vector<256x256xf32>
    %dot_general3A = arith.constant dense<0.000000e+00> : vector<2000x256xf32>
    %dot_general3A_33 = tpu.matmul %max3A_29, %get3A_32, %dot_general3A {dimension_numbers = #tpu.dot_dimension_numbers<[1], [0], [0], [1], [0, 0, 1, 1], [], []>, precision = #tpu.contract_precision<fp32>, transpose_lhs_hint = false} : vector<2000x256xf32>, vector<256x256xf32>, vector<2000x256xf32> -> vector<2000x256xf32>
    %mul3A_34 = vector.broadcast %rsqrt3A : vector<2000x1xf32> to vector<2000x256xf32>
    %mul3A_35 = arith.mulf %dot_general3A_33, %mul3A_34 : vector<2000x256xf32>
    %slice3A = vector.extract_strided_slice %mul3A_35 {offsets = [0, 0], sizes = [2000, 128], strides = [1, 1]} : vector<2000x256xf32> to vector<2000x128xf32>
    %swap3A = arith.constant 0 : index
    %swap3A_36 = arith.constant 0 : index
    %swap3A_37 = arith.constant 0 : index
    %swap3A_38 = vector.load %arg9[%swap3A, %swap3A_36, %swap3A_37] : memref<2x2000x128xf32, #tpu.memory_space<vmem>>, vector<1x2000x128xf32>
    %swap3A_39 = vector.shape_cast %swap3A_38 : vector<1x2000x128xf32> to vector<2000x128xf32>
    %swap3A_40 = vector.shape_cast %slice3A : vector<2000x128xf32> to vector<1x2000x128xf32>
    tpu.vector_store %arg9[%swap3A, %swap3A_36, %swap3A_37], %swap3A_40 {strides = array<i32>} : memref<2x2000x128xf32, #tpu.memory_space<vmem>>, vector<1x2000x128xf32>,
    %slice3A_41 = vector.extract_strided_slice %mul3A_35 {offsets = [0, 128], sizes = [2000, 128], strides = [1, 1]} : vector<2000x256xf32> to vector<2000x128xf32>
    %swap3A_42 = arith.constant 1 : index
    %swap3A_43 = arith.constant 0 : index
    %swap3A_44 = arith.constant 0 : index
    %swap3A_45 = vector.load %arg9[%swap3A_42, %swap3A_43, %swap3A_44] : memref<2x2000x128xf32, #tpu.memory_space<vmem>>, vector<1x2000x128xf32>
    %swap3A_46 = vector.shape_cast %swap3A_45 : vector<1x2000x128xf32> to vector<2000x128xf32>
    %swap3A_47 = vector.shape_cast %slice3A_41 : vector<2000x128xf32> to vector<1x2000x128xf32>
    tpu.vector_store %arg9[%swap3A_42, %swap3A_43, %swap3A_44], %swap3A_47 {strides = array<i32>} : memref<2x2000x128xf32, #tpu.memory_space<vmem>>, vector<1x2000x128xf32>,
    return
  }
  func.func @transform_0(%arg0: i32) -> (i32, i32) {
    %c0_i32 = arith.constant 0 : i32
    %c0_i32_0 = arith.constant 0 : i32
    return %arg0, %c0_i32 : i32, i32
  }
  func.func @transform_1(%arg0: i32) -> (i32, i32) {
    %c0_i32 = arith.constant 0 : i32
    %c0_i32_0 = arith.constant 0 : i32
    return %arg0, %c0_i32 : i32, i32
  }
  func.func @transform_2(%arg0: i32) -> (i32, i32) {
    %c0_i32 = arith.constant 0 : i32
    %c0_i32_0 = arith.constant 0 : i32
    return %arg0, %c0_i32 : i32, i32
  }
  func.func @transform_3(%arg0: i32) -> (i32, i32) {
    %c0_i32 = arith.constant 0 : i32
    %c0_i32_0 = arith.constant 0 : i32
    return %arg0, %c0_i32 : i32, i32
  }
  func.func @transform_4(%arg0: i32) -> (i32, i32) {
    %c0_i32 = arith.constant 0 : i32
    %c0_i32_0 = arith.constant 0 : i32
    return %arg0, %c0_i32 : i32, i32
  }
  func.func @transform_5(%arg0: i32) -> (i32, i32) {
    %c0_i32 = arith.constant 0 : i32
    %c0_i32_0 = arith.constant 0 : i32
    return %arg0, %c0_i32 : i32, i32
  }
  func.func @transform_6(%arg0: i32) -> (i32, i32) {
    %c0_i32 = arith.constant 0 : i32
    %c0_i32_0 = arith.constant 0 : i32
    %c0_i32_1 = arith.constant 0 : i32
    return %c0_i32, %c0_i32_0 : i32, i32
  }
  func.func @transform_7(%arg0: i32) -> (i32, i32) {
    %c0_i32 = arith.constant 0 : i32
    %c0_i32_0 = arith.constant 0 : i32
    %c0_i32_1 = arith.constant 0 : i32
    return %c0_i32, %c0_i32_0 : i32, i32
  }
  func.func @transform_8(%arg0: i32) -> (i32, i32, i32) {
    %c0_i32 = arith.constant 0 : i32
    %c0_i32_0 = arith.constant 0 : i32
    %c0_i32_1 = arith.constant 0 : i32
    return %c0_i32, %arg0, %c0_i32_0 : i32, i32, i32
  }
}

module attributes {stable_mosaic.version = 14 : i64} {
  func.func @gcn_pool_linear(%arg0: memref<10000x128xf32, #tpu.memory_space<vmem>>, %arg1: memref<10000x128xf32, #tpu.memory_space<vmem>>, %arg2: memref<10000x128xf32, #tpu.memory_space<vmem>>, %arg3: memref<10000x128xf32, #tpu.memory_space<vmem>>, %arg4: memref<10000x1xf32, #tpu.memory_space<vmem>>, %arg5: memref<10000x1xf32, #tpu.memory_space<vmem>>, %arg6: memref<1x256xf32, #tpu.memory_space<vmem>>, %arg7: memref<10000x1xi32, #tpu.memory_space<vmem>>, %arg8: memref<256x128xf32, #tpu.memory_space<vmem>>, %arg9: memref<1x128xf32, #tpu.memory_space<vmem>>, %arg10: memref<64x128xf32, #tpu.memory_space<vmem>>) attributes {dimension_semantics = [], scalar_prefetch = 0 : i64, scratch_operands = 0 : i64, tpu.core_type = #tpu.core_type<tc>} {
    %get3A = arith.constant 0 : index
    %get3A_0 = arith.constant 0 : index
    %get3A_1 = vector.load %arg4[%get3A, %get3A_0] : memref<10000x1xf32, #tpu.memory_space<vmem>>, vector<10000x1xf32>
    %get3A_2 = arith.constant 0 : index
    %get3A_3 = arith.constant 0 : index
    %get3A_4 = vector.load %arg5[%get3A_2, %get3A_3] : memref<10000x1xf32, #tpu.memory_space<vmem>>, vector<10000x1xf32>
    %add3A = arith.addf %get3A_1, %get3A_4 : vector<10000x1xf32>
    %add3A_5 = arith.constant 1.000000e+00 : f32
    %add3A_6 = vector.broadcast %add3A_5 : f32 to vector<10000x1xf32>
    %add3A_7 = arith.addf %add3A, %add3A_6 : vector<10000x1xf32>
    %rsqrt3A = math.rsqrt %add3A_7 : vector<10000x1xf32>
    %get3A_8 = arith.constant 0 : index
    %get3A_9 = arith.constant 0 : index
    %get3A_10 = vector.load %arg0[%get3A_8, %get3A_9] : memref<10000x128xf32, #tpu.memory_space<vmem>>, vector<10000x128xf32>
    %get3A_11 = arith.constant 0 : index
    %get3A_12 = arith.constant 0 : index
    %get3A_13 = vector.load %arg2[%get3A_11, %get3A_12] : memref<10000x128xf32, #tpu.memory_space<vmem>>, vector<10000x128xf32>
    %add3A_14 = arith.addf %get3A_10, %get3A_13 : vector<10000x128xf32>
    %get3A_15 = arith.constant 0 : index
    %get3A_16 = arith.constant 0 : index
    %get3A_17 = vector.load %arg1[%get3A_15, %get3A_16] : memref<10000x128xf32, #tpu.memory_space<vmem>>, vector<10000x128xf32>
    %get3A_18 = arith.constant 0 : index
    %get3A_19 = arith.constant 0 : index
    %get3A_20 = vector.load %arg3[%get3A_18, %get3A_19] : memref<10000x128xf32, #tpu.memory_space<vmem>>, vector<10000x128xf32>
    %add3A_21 = arith.addf %get3A_17, %get3A_20 : vector<10000x128xf32>
    %concatenate3A = tpu.concatenate %add3A_14, %add3A_21 in 1 : vector<10000x128xf32>, vector<10000x128xf32> -> vector<10000x256xf32>
    %mul3A = vector.broadcast %rsqrt3A : vector<10000x1xf32> to vector<10000x256xf32>
    %mul3A_22 = arith.mulf %mul3A, %concatenate3A : vector<10000x256xf32>
    %get3A_23 = arith.constant 0 : index
    %get3A_24 = arith.constant 0 : index
    %get3A_25 = vector.load %arg6[%get3A_23, %get3A_24] : memref<1x256xf32, #tpu.memory_space<vmem>>, vector<1x256xf32>
    %add3A_26 = vector.broadcast %get3A_25 : vector<1x256xf32> to vector<10000x256xf32>
    %add3A_27 = arith.addf %mul3A_22, %add3A_26 : vector<10000x256xf32>
    %max3A = arith.constant 0.000000e+00 : f32
    %max3A_28 = vector.broadcast %max3A : f32 to vector<10000x256xf32>
    %max3A_29 = arith.maximumf %add3A_27, %max3A_28 : vector<10000x256xf32>
    %iota3A = tpu.iota {dimensions = array<i32: 1>} : vector<10000x64xi32>
    %get3A_30 = arith.constant 0 : index
    %get3A_31 = arith.constant 0 : index
    %get3A_32 = vector.load %arg7[%get3A_30, %get3A_31] : memref<10000x1xi32, #tpu.memory_space<vmem>>, vector<10000x1xi32>
    %eq3A = vector.broadcast %get3A_32 : vector<10000x1xi32> to vector<10000x64xi32>
    %eq3A_33 = arith.cmpi eq, %eq3A, %iota3A : vector<10000x64xi32>
    %convert_element_type3A = arith.extui %eq3A_33 : vector<10000x64xi1> to vector<10000x64xi32>
    %convert_element_type3A_34 = arith.sitofp %convert_element_type3A : vector<10000x64xi32> to vector<10000x64xf32>
    %dot_general3A = arith.constant dense<0.000000e+00> : vector<64x256xf32>
    %dot_general3A_35 = tpu.matmul %convert_element_type3A_34, %max3A_29, %dot_general3A {dimension_numbers = #tpu.dot_dimension_numbers<[0], [0], [1], [1], [0, 1, 1, 1], [], []>, precision = #tpu.contract_precision<fp32>, transpose_lhs_hint = false} : vector<10000x64xf32>, vector<10000x256xf32>, vector<64x256xf32> -> vector<64x256xf32>
    %reduce_sum3A = arith.constant dense<0.000000e+00> : vector<64xf32>
    %reduce_sum3A_36 = vector.multi_reduction <add>, %convert_element_type3A_34, %reduce_sum3A [0] : vector<10000x64xf32> to vector<64xf32>
    %max3A_37 = arith.constant 1.000000e+00 : f32
    %max3A_38 = vector.broadcast %max3A_37 : f32 to vector<64xf32>
    %max3A_39 = arith.maximumf %reduce_sum3A_36, %max3A_38 : vector<64xf32>
    %broadcast_in_dim3A = vector.shape_cast %max3A_39 : vector<64xf32> to vector<64x1xf32>
    %div3A = vector.broadcast %broadcast_in_dim3A : vector<64x1xf32> to vector<64x256xf32>
    %div3A_40 = arith.divf %dot_general3A_35, %div3A : vector<64x256xf32>
    %get3A_41 = arith.constant 0 : index
    %get3A_42 = arith.constant 0 : index
    %get3A_43 = vector.load %arg8[%get3A_41, %get3A_42] : memref<256x128xf32, #tpu.memory_space<vmem>>, vector<256x128xf32>
    %dot_general3A_44 = arith.constant dense<0.000000e+00> : vector<64x128xf32>
    %dot_general3A_45 = tpu.matmul %div3A_40, %get3A_43, %dot_general3A_44 {dimension_numbers = #tpu.dot_dimension_numbers<[1], [0], [0], [1], [0, 0, 1, 1], [], []>, precision = #tpu.contract_precision<fp32>, transpose_lhs_hint = false} : vector<64x256xf32>, vector<256x128xf32>, vector<64x128xf32> -> vector<64x128xf32>
    %get3A_46 = arith.constant 0 : index
    %get3A_47 = arith.constant 0 : index
    %get3A_48 = vector.load %arg9[%get3A_46, %get3A_47] : memref<1x128xf32, #tpu.memory_space<vmem>>, vector<1x128xf32>
    %add3A_49 = vector.broadcast %get3A_48 : vector<1x128xf32> to vector<64x128xf32>
    %add3A_50 = arith.addf %dot_general3A_45, %add3A_49 : vector<64x128xf32>
    %swap3A = arith.constant 0 : index
    %swap3A_51 = arith.constant 0 : index
    %swap3A_52 = vector.load %arg10[%swap3A, %swap3A_51] : memref<64x128xf32, #tpu.memory_space<vmem>>, vector<64x128xf32>
    tpu.vector_store %arg10[%swap3A, %swap3A_51], %add3A_50 {strides = array<i32>} : memref<64x128xf32, #tpu.memory_space<vmem>>, vector<64x128xf32>,
    return
  }
}

</mosaic_0001>

<sc_bundles>
// kernel: gcn_degree.3.cloned.1.call-start
scs
__scs_entry_jumppad:
0x0: {  	(pc) =	sbr.rel $0x88, $3  }
0x1: {  	(tag) =	ssettag $0x0;
	lr =	simm.s32 $0x1  }
0x2: {  	[smem:$0x3F96] =	sst lr;
	_ =	strace $0xD0000000  }
0x3: {  	_ = 	snop  }
0x4: {  	_ = 	snop  }
0x5: {  	_ = 	snop  }
0x6: {  	_ = 	snop  }
0x7: {  	_ = 	snop  }
__scs_overlays_trampoline_lowered:
0x8: {  	[smem:$0x3FA5] =	sst s0  }
0x9: {  	[smem:$0x3FA6] =	sst s1  }
0xa: {  	[smem:$0x3FA7] =	sst s2  }
0xb: {  	[smem:$0x3FA8] =	sst s3  }
0xc: {  	[smem:$0x3FA9] =	sst s4  }
0xd: {  	[smem:$0x3FAA] =	sst s5  }
0xe: {  	[smem:$0x3FAB] =	sst s6  }
0xf: {  	[smem:$0x3FAC] =	sst s7  }
0x10: {  	[smem:$0x3FAD] =	sst s8  }
0x11: {  	[smem:$0x3FAE] =	sst s9;
	s0 =	simm.s32 @!p0 $0x0  }
0x12: {  	s1 =	sld [smem:$0x3F94];
	s0 =	simm.s32 @p0 $0x1  }
0x13: {  	[smem:$0x3FAF] =	sst s0;
	s0 =	simm.s32 @!p1 $0x0  }
0x14: {  	s2 =	sld [smem:$0x3F93];
	s0 =	simm.s32 @p1 $0x1  }
0x15: {  	[smem:$0x3FB0] =	sst s0;
	s0 =	simm.s32 @!p2 $0x0  }
0x16: {  	s3 =	sld [smem:$0x3FDB];
	s0 =	simm.s32 @p2 $0x1  }
0x17: {  	s4 =	simm.s32 $0x1BF5;
	[smem:$0x3FB2] =	sst s0  }
0x18: {  	s0 =	sld [smem:$0x3F95];
	_ =	swait.ge [sflag:s4], $0x0  }
0x19: {  	s7 =	sld [smem:$0x3F96]  }
0x1a: {  	s8 =	sadd.s32 $0xFFFFE003, lr  }
0x1b: {  	s9 =	sadd.s32 $0xFFFFFEF7, lr;
	s5 =	simm.s32 $0xFFFFFFFF;
	p2 =	slt.u32 s8, $0xFFFFF086  }
0x1c: {  	p1 =	slt.u32 s9, $0xF7A;
	s5 =	simm.s32 @!p2 $0x0  }
0x1d: {  	s5 =	simm.s32 @p1 $0x1;
	p0 =	seq.s32 s7, s2  }
0x1e: {  	s7 =	smul.u32 @!p0 $0xF7A, s2;
	p2 =	seq.s32 @!p0 s5, $0x0  }
0x1f: {  	s9 =	smul.u32 $0xF7A, s1;
	s8 =	simm.s32 @!p0 $0x1BF5;
	p2 =	por !p2, p0  }
0x20: {  	[sflag:s8] =	ssyncset.s32 @!p0 $0xFFFFF086;
	s6 =	sadd.s32 @!p0 s3, s7;
	s7 =	simm.s32 @!p0 $0x108  }
0x21: {  	s3 =	sadd.s32 s3, s9;
	s6 =	sadd.s32 @!p0 $0x88, s6;
	s7 =	simm.s32 @p2 $0x1082  }
0x22: {  	[simem:s7], [sflag:s8] =	dma.local @!p0 [hbm:s6], $0xF7A  }
0x23: {  	s9 =	sor.u32 $0xD0000000, s2;
	s6 =	simm.s32 $0x108;
	_ =	swait.ge @!p0 [sflag:s8], $0x0  }
0x24: {  	s3 =	sadd.s32 $0x88, s3;
	s6 =	simm.s32 @!p1 $0x1082;
	[sflag:s4] =	ssyncset.s32 $0xFFFFF086  }
0x25: {  	[simem:s6], [sflag:s4] =	dma.local [hbm:s3], $0xF7A  }
0x26: {  	[smem:$0x3F96] =	sst s1;
	(tag) =	ssettag s2;
	_ =	strace s9  }
0x27: {  	s1 =	sld [smem:$0x3FA6]  }
0x28: {  	s2 =	sld [smem:$0x3FA7]  }
0x29: {  	s4 =	sld [smem:$0x3FA9]  }
0x2a: {  	p0 =	seq.s32 s5, $0x0;
	s5 =	sld [smem:$0x3FAA]  }
0x2b: {  	s6 =	sld [smem:$0x3FAB]  }
0x2c: {  	s7 =	sld [smem:$0x3FAC]  }
0x2d: {  	s3 =	simm.s32 $0x108;
	s8 =	sld [smem:$0x3FAD]  }
0x2e: {  	s3 =	simm.s32 @!p0 $0x1082;
	s9 =	sld [smem:$0x3FAE]  }
0x2f: {  	lr =	sadd.s32 s0, s3;
	s0 =	sld [smem:$0x3FA5]  }
0x30: {  	s3 =	sld [smem:$0x3FA8]  }
0x31: {  	[smem:$0x3FB1] =	sst s10  }
0x32: {  	s10 =	sld [smem:$0x3FAF];
	_ =	sdelay $0x3  }
0x33: {  	p0 =	seq.s32 s10, $0x1;
	s10 =	sld [smem:$0x3FB1];
	_ =	sdelay $0x3  }
0x34: {  	[smem:$0x3FB1] =	sst s10  }
0x35: {  	s10 =	sld [smem:$0x3FB0];
	_ =	sdelay $0x3  }
0x36: {  	p1 =	seq.s32 s10, $0x1;
	s10 =	sld [smem:$0x3FB1];
	_ =	sdelay $0x3  }
0x37: {  	[smem:$0x3FB1] =	sst s10  }
0x38: {  	s10 =	sld [smem:$0x3FB2]  }
0x39: {  	_ = 	snop;
	(pc) =	sbr.ind lr, $3  }
0x3a: {  	_ = 	snop  }
0x3b: {  	_ = 	snop  }
0x3c: {  	p2 =	seq.s32 s10, $0x1;
	s10 =	sld [smem:$0x3FB1]  }
0x3d: {  	_ =	shalt  }
0x3e: {  	_ =	shalt  }
0x3f: {  	_ =	shalt  }
0x40: {  	_ =	shalt  }
0x41: {  	_ =	shalt  }
0x42: {  	_ =	shalt  }
0x43: {  	_ =	shalt  }
0x44: {  	_ =	shalt  }
0x45: {  	_ =	shalt  }
0x46: {  	_ =	shalt  }
0x47: {  	_ =	shalt  }
0x48: {  	_ =	shalt  }
0x49: {  	_ =	shalt  }
0x4a: {  	_ =	shalt  }
0x4b: {  	_ =	shalt  }
0x4c: {  	_ =	shalt  }
0x4d: {  	_ =	shalt  }
0x4e: {  	_ =	shalt  }
0x4f: {  	_ =	shalt  }
0x50: {  	_ =	shalt  }
0x51: {  	_ =	shalt  }
0x52: {  	_ =	shalt  }
0x53: {  	_ =	shalt  }
0x54: {  	_ =	shalt  }
0x55: {  	_ =	shalt  }
0x56: {  	_ =	shalt  }
0x57: {  	_ =	shalt  }
0x58: {  	_ =	shalt  }
0x59: {  	_ =	shalt  }
0x5a: {  	_ =	shalt  }
0x5b: {  	_ =	shalt  }
0x5c: {  	_ =	shalt  }
0x5d: {  	_ =	shalt  }
0x5e: {  	_ =	shalt  }
0x5f: {  	_ =	shalt  }
0x60: {  	_ =	shalt  }
0x61: {  	_ =	shalt  }
0x62: {  	_ =	shalt  }
0x63: {  	_ =	shalt  }
0x64: {  	_ =	shalt  }
0x65: {  	_ =	shalt  }
0x66: {  	_ =	shalt  }
0x67: {  	_ =	shalt  }
0x68: {  	_ =	shalt  }
0x69: {  	_ =	shalt  }
0x6a: {  	_ =	shalt  }
0x6b: {  	_ =	shalt  }
0x6c: {  	_ =	shalt  }
0x6d: {  	_ =	shalt  }
0x6e: {  	_ =	shalt  }
0x6f: {  	_ =	shalt  }
0x70: {  	_ =	shalt  }
0x71: {  	_ =	shalt  }
0x72: {  	_ =	shalt  }
0x73: {  	_ =	shalt  }
0x74: {  	_ =	shalt  }
0x75: {  	_ =	shalt  }
0x76: {  	_ =	shalt  }
0x77: {  	_ =	shalt  }
0x78: {  	_ =	shalt  }
0x79: {  	_ =	shalt  }
0x7a: {  	_ =	shalt  }
0x7b: {  	_ =	shalt  }
0x7c: {  	_ =	shalt  }
0x7d: {  	_ =	shalt  }
0x7e: {  	_ =	shalt  }
0x7f: {  	_ =	shalt  }
0x80: {  	_ =	shalt  }
0x81: {  	_ =	shalt  }
0x82: {  	_ =	shalt  }
0x83: {  	_ =	shalt  }
0x84: {  	_ =	shalt  }
0x85: {  	_ =	shalt  }
0x86: {  	_ =	shalt  }
0x87: {  	_ =	shalt  }
.Lfunc_end0:
.L_simem_size_0:
called_computation_lowered:
.L_overlay_start_0:
0x88: {  	s2 =	sld [smem:$0x3FD9]  }
0x89: {  	s3 =	sld [smem:$0x3FFE];
	_ =	sdelay $0x1  }
0x8a: {  	s1 =	srdreg.scid  }
0x8b: {  	s0 =	sand.u32 $0x1, s1  }
0x8c: {  	s16 =	sshll.u32 s0, $0xA;
	s2 =	sadd.s32 s3, s2  }
0x8d: {  	s2 =	sadd.s32 s2, s16  }
0x8e: {  	[smem:$0x3FBD] =	sst s2  }
0x8f: {  	_ = 	snop  }
0x90: {  	(tm) =	ssettm $0x1  }
0x91: {  	s17 =	sld [smem:$0x3FFB];
	_ =	sdelay $0x3  }
0x92: {  	_ =	strace s17  }
0x93: {  	s2 =	sld [smem:$0x3FFC];
	_ =	sdelay $0x3  }
0x94: {  	_ =	strace s2  }
0x95: {  	s2 =	sld [smem:$0x3FFD];
	_ =	sdelay $0x3  }
0x96: {  	_ =	strace s2  }
0x97: {  	_ =	strace $0x8FFFFFFF  }
0x98: {  	s18 =	sld [smem:$0x3FDB];
	_ =	sdelay $0x1  }
0x99: {  	s19 =	simm.s32 $_scs_section_size  }
0x9a: {  	s4 =	simm.s32 $_size__tile_overlayer_lowered;
	s5 =	simm.s32 $_tile_overlayer_lowered  }
0x9b: {  	s22 =	simm.s32 $0x1BFF;
	s21 =	sshll.u32 s5, $0x1;
	s2 =	sadd.s32 s19, s18  }
0x9c: {  	s6 =	simm.s32 $0x0;
	s20 =	sshll.u32 s4, $0x1;
	s4 =	sadd.s32 s21, s2  }
0x9d: {  	[timem:s6], [sflag:s22] =	dma.local [hbm:s4], s20  }
0x9e: {  	_ =	swait.ge [sflag:s22], s20  }
0x9f: {  	s3 =	ssub.s32 $0x0, s20;
	[sflag:s22] =	ssyncset.done $0x0  }
0xa0: {  	[sflag:s22] =	ssyncadd.s32 s3;
	_ =	sdelay $0x1  }
0xa1: {  	s23 =	simm.s32 $0x1B8B  }
0xa2: {  	_ =	swait.ge [sflag:s23], $0x1  }
0xa3: {  	[sflag:s23] =	ssyncset.done $0x0  }
0xa4: {  	s25 =	simm.s32 $0x1B8E;
	s24 =	sld [smem:$0x3FFE];
	[sflag:s23] =	ssyncadd.s32 $0xFFFFFFFF  }
0xa5: {  	s26 =	simm.s32 $execute0_lowered;
	[smem:$0x3FD2] =	sst s25  }
0xa6: {  	s4 =	sshll.u32 s26, $0x1;
	_ =	strace $0x80000046;
	[dreg:$0x1] =	wrdreg $0xFFFFFFFF  }
0xa7: {  	s28 =	simm.s32 $_size_execute0_lowered;
	s2 =	sadd.s32 s2, s4;
	[dreg:$0x0] =	wrdreg $0x0  }
0xa8: {  	s4 =	sshll.u32 s28, $0x1;
	[dreg:$0x2] =	wrdreg s2  }
0xa9: {  	[dreg:$0x3] =	wrdreg s4  }
0xaa: {  	[dreg:$0x4] =	wrdreg $0xC0  }
0xab: {  	_ =	task [dreg:s6], $0x5FFFF  }
0xac: {  	[dreg:$0x1] =	wrdreg $0xFFFFFFFF  }
0xad: {  	[dreg:$0x0] =	wrdreg $0x60  }
0xae: {  	[dreg:$0x2] =	wrdreg s24  }
0xaf: {  	[dreg:$0x3] =	wrdreg $0x40800  }
0xb0: {  	[dreg:$0x4] =	wrdreg $0x9  }
0xb1: {  	_ =	task.clear_ibuf [dreg:s6], $0x5FFFF;
	_ =	strace $0x90000046  }
0xb2: {  	s29 =	simm.s32 $0x9;
	_ =	strace $0x80000048  }
0xb3: {  	_ =	swait.ge [sflag:s29], $0x1  }
0xb4: {  	[sflag:s29] =	ssyncadd.s32 $0xFFFFFFFF  }
0xb5: {  	_ =	strace $0x90000048  }
0xb6: {  	_ =	sfence  }
0xb7: {  	s30 =	sld [smem:$0x0];
	_ =	sdelay $0x2  }
0xb8: {  	s31 =	sshll.u32 s1, $0xD;
	s1 =	sshrl.u32 s1, $0x2  }
0xb9: {  	s3 =	sand.u32 $0x4000, s31;
	s1 =	sadd.s32 s1, s30  }
0xba: {  	s0 =	sor.u32 s3, s0;
	s1 =	sshll.u32 s1, $0x11  }
0xbb: {  	s0 =	sor.u32 s1, s0  }
0xbc: {  	s0 =	sadd.s32 $0x8F2B, s0  }
0xbd: {  	[sflag:s0] =	ssyncadd.remote.s32 $0x1  }
0xbe: {  	_ =	sfence.sel $0xFFFF  }
0xbf: {  	[dreg:$0x0] =	wrdreg $0xFFFFFFFF;
	(pc) =	sbr.abs _section_cstart, $3  }
0xc0: {  	[dreg:$0x1] =	wrdreg $0xFFFFFFFF  }
0xc1: {  	_ =	task.clear_ibuf [dreg:s6], $0x2FFFF;
	_ =	strace $0x9FFFFFFF  }
0xc2: {  	(tm) =	ssettm $0x7FFFFFFF  }
0xc3: {  	_ =	shalt  }
tec
execute0_lowered:
.L_overlay_start_1:
0x0: {  	(tag) =	ssettag $0x1  }
0x1: {  	s5 =	rddreg [dreg:$0x0]  }
0x2: {  	s0 =	srdreg.scid;
	s1 =	stileid.u32  }
0x3: {  	s2 =	rddreg [dreg:$0x1];
	s7 =	smul.u32 $0x13C00, s1  }
0x4: {  	s3 =	simm.s32 $0x0;
	s13 =	simm.s32 $0x80;
	s11 =	smul.u32 $0x4F000, s1  }
0x5: {  	s6 =	sand.u32 $0x1, s0;
	s0 =	rddreg [dreg:$0x2];
	s31 =	smul.u32 $0x4F0, s1  }
0x6: {  	s14 =	simm.s32 $0x0;
	[smem:$0x7FF] =	sst s3;
	s4 =	smul.u32 $0x4F00, s6  }
0x7: {  	s30 =	sshll.u32 s1, $0x6;
	s8 =	smul.u32 $0x13C000, s6;
	s6 =	ssub.s32 $0x2, s6  }
0x8: {  	_ =	strace $0x80000047;
	s10 =	sshrl.u32 s7, $0x3;
	s28 =	sshrl.u32 s6, $0x1  }
0x9: {  	s29 =	sshrl.u32 s11, $0x2;
	s11 =	simm.s32 $0x1;
	s9 =	sadd.s32 s4, s5  }
0xa: {  	s4 =	sadd.s32 $0x35800, s5;
	s7 =	sadd.s32 s7, s8;
	s10 =	sadd.s32 s10, s5  }
0xb: {  	s8 =	ssub.s32 s6, s28;
	s12 =	sadd.s32 s29, s2;
	s6 =	sor.u32 $0x1C01, s30  }
0xc: {  	s7 =	sshrl.u32 s7, $0x3;
	s8 =	smax.u32 s8, $0x1;
	s9 =	sadd.s32 s31, s9  }
0xd: {  	s7 =	sadd.s32 s7, s5;
	s5 =	sadd.s32 $0xE000, s10;
	s9 =	sadd.s32 $0x4200, s9  }
0xe: {  	s10 =	sshrl.u32 s12, $0x3;
	s12 =	simm.s32 $0x4000;
	s7 =	sadd.s32 $0x36000, s7  }
.LBB2_1:
0xf: {  	[spmem:s10], [sflag:s6] =	dma.local [hbm:s5], $0x2780  }
0x10: {  	_ =	swait.ge [sflag:s11], $0x2780  }
0x11: {  	[sflag:s11] =	ssyncset.done $0x0  }
0x12: {  	[sflag:s11] =	ssyncadd.s32 $0xFFFFD880  }
0x13: {  	[tilespmem:s3], [sflag:$0x1] =	stream.linear.gather [hbm4b:s4+s3], $0x4000, $0x38;
	[tilespmem:$0x17C80] =	vst v63  }
0x14: {  	_ =	swait.ge [sflag:s11], $0x4000  }
0x15: {  	[sflag:s11] =	ssyncset.done $0x0  }
0x16: {  	[sflag:s11] =	ssyncadd.s32 $0xFFFFC000  }
0x17: {  	s15 =	sadd.s32 $0x0, s9;
	[bflag:$0x0] =	sbarrier.arrive $0xFFFF  }
0x18: {  	[tilespmem:s12], [sflag:$0x1] =	stream.linear.gather [hbm4b:s15+s3], $0x80, $0x38;
	[tilespmem:$0x17C80] =	vst v63  }
0x19: {  	_ =	swait.ge [sflag:s11], $0x80  }
0x1a: {  	[sflag:s11] =	ssyncset.done $0x0  }
0x1b: {  	[sflag:s11] =	ssyncadd.s32 $0xFFFFFF80  }
0x1c: {  	[spmem:s2] =	stream.indirect.scatter.add.f32 [tilespmem:s3], [sflag:$0x1], $0x80, s12, s13, $0xb8;
	[tilespmem:$0x17C80] =	vst v63  }
0x1d: {  	_ =	swait.ge [sflag:s11], $0x4000  }
0x1e: {  	s16 =	simm.s32 $0x20;
	s15 =	simm.s32 $0x10;
	[sflag:s11] =	ssyncset.done $0x0  }
.LBB2_2:
0x1f: {  	s17 =	sadd.s32 s15, s9  }
0x20: {  	[sflag:s11] =	ssyncadd.s32 $0xFFFFC000;
	s15 =	smov.u32 s16;
	s18 =	sadd.s32 $0x10, s16  }
0x21: {  	[tilespmem:s12], [sflag:$0x1] =	stream.linear.gather [hbm4b:s17+s3], $0x80, $0x38;
	[tilespmem:$0x17C80] =	vst v63  }
0x22: {  	p0 =	sne.s32 s16, $0x4E0;
	_ =	swait.ge [sflag:s11], $0x80  }
.Ltmp0:
0x23: {  	[sflag:s11] =	ssyncset.done $0x0;
	(pc) =	sbr.rel @p0 .LBB2_2-.Ltmp0, $4  }
0x24: {  	[sflag:s11] =	ssyncadd.s32 $0xFFFFFF80  }
0x25: {  	[spmem:s2] =	stream.indirect.scatter.add.f32 [tilespmem:s3], [sflag:$0x1], $0x80, s12, s13, $0xb8;
	[tilespmem:$0x17C80] =	vst v63  }
0x26: {  	_ =	swait.ge [sflag:s11], $0x4000  }
0x27: {  	s16 =	smov.u32 s18;
	[sflag:s11] =	ssyncset.done $0x0  }
0x28: {  	s15 =	sadd.s32 s15, s9;
	[sflag:s11] =	ssyncadd.s32 $0xFFFFC000  }
0x29: {  	[tilespmem:s12], [sflag:$0x1] =	stream.linear.gather [hbm4b:s15+s3], $0x80, $0x38;
	[tilespmem:$0x17C80] =	vst v63  }
0x2a: {  	_ =	swait.ge [sflag:s11], $0x80  }
0x2b: {  	[sflag:s11] =	ssyncset.done $0x0  }
0x2c: {  	[sflag:s11] =	ssyncadd.s32 $0xFFFFFF80  }
0x2d: {  	[spmem:s2] =	stream.indirect.scatter.add.f32 [tilespmem:s3], [sflag:$0x1], $0x80, s12, s13, $0xb8;
	[tilespmem:$0x17C80] =	vst v63  }
0x2e: {  	_ =	swait.ge [sflag:s11], $0x4000  }
0x2f: {  	s14 =	sadd.s32 $0x1, s14;
	[sflag:s11] =	ssyncset.done $0x0  }
0x30: {  	p0 =	sne.s32 s14, s8;
	[sflag:s11] =	ssyncadd.s32 $0xFFFFC000  }
.Ltmp1:
0x31: {  	[bflag:$0x0] =	sbarrier.arrive $0xFFFF;
	(pc) =	sbr.rel @p0 .LBB2_1-.Ltmp1, $4  }
0x32: {  	[hbm:s7], [sflag:s6] =	dma.local [spmem:s10], $0x2780  }
0x33: {  	_ =	swait.ge [sflag:s11], $0x2780  }
0x34: {  	[sflag:s11] =	ssyncset.done $0x0  }
0x35: {  	[sflag:s11] =	ssyncadd.s32 $0xFFFFD880  }
0x36: {  	_ =	sfence.sel $0x180000  }
0x37: {  	[bflag:$0x0] =	sbarrier.arrive $0xFFFF  }
0x38: {  	p0 =	sne.s32 s1, $0x0;
	_ =	strace $0x90000047  }
0x39: {  	s0 =	sadd.s32 @!p0 $0x100000, s0;
	[bflag:$0x2] =	sbarrier.arrive $0xFFFF  }
0x3a: {  	[sflag:s0] =	ssyncadd.tile.s32 @!p0 $0x1;
	_ =	shalt  }
.Lfunc_end2:
_tile_overlayer_lowered:
.L_overlay_start_2:
0x3b: {  	(tag) =	ssettag $0x2  }
0x3c: {  	s0 =	rddreg [dreg:$0x0];
	s2 =	stileid.u32  }
0x3d: {  	s1 =	rddreg [dreg:$0x1];
	p0 =	sne.s32 s2, $0x0  }
0x3e: {  	s3 =	rddreg [dreg:$0x2];
	[bflag:$0x3] =	sbarrier.arrive $0xFFFF;
	s2 =	simm.s32 @!p0 $0x1C01  }
0x3f: {  	[timem:s3], [sflag:s2] =	dma.local @!p0 [hbm:s0], s1  }
0x40: {  	s0 =	simm.s32 @!p0 $0x1  }
0x41: {  	_ =	swait.ge @!p0 [sflag:s0], s1  }
0x42: {  	s1 =	ssub.s32 @!p0 $0x0, s1;
	[sflag:s0] =	ssyncset.done @!p0 $0x0  }
0x43: {  	[sflag:s0] =	ssyncadd.s32 @!p0 s1  }
0x44: {  	[bflag:$0x3] =	sbarrier.arrive $0xFFFF  }
0x45: {  	_ =	shalt  }

// kernel: gcn_edge_scatter.11.cloned.1.call-start
scs
__scs_entry_jumppad:
0x0: {  	(pc) =	sbr.rel $0x88, $3  }
0x1: {  	(tag) =	ssettag $0x0;
	lr =	simm.s32 $0x1  }
0x2: {  	[smem:$0x3F96] =	sst lr;
	_ =	strace $0xD0000000  }
0x3: {  	_ = 	snop  }
0x4: {  	_ = 	snop  }
0x5: {  	_ = 	snop  }
0x6: {  	_ = 	snop  }
0x7: {  	_ = 	snop  }
__scs_overlays_trampoline_lowered:
0x8: {  	[smem:$0x3FA5] =	sst s0  }
0x9: {  	[smem:$0x3FA6] =	sst s1  }
0xa: {  	[smem:$0x3FA7] =	sst s2  }
0xb: {  	[smem:$0x3FA8] =	sst s3  }
0xc: {  	[smem:$0x3FA9] =	sst s4  }
0xd: {  	[smem:$0x3FAA] =	sst s5  }
0xe: {  	[smem:$0x3FAB] =	sst s6  }
0xf: {  	[smem:$0x3FAC] =	sst s7  }
0x10: {  	[smem:$0x3FAD] =	sst s8  }
0x11: {  	[smem:$0x3FAE] =	sst s9;
	s0 =	simm.s32 @!p0 $0x0  }
0x12: {  	s1 =	sld [smem:$0x3F94];
	s0 =	simm.s32 @p0 $0x1  }
0x13: {  	[smem:$0x3FAF] =	sst s0;
	s0 =	simm.s32 @!p1 $0x0  }
0x14: {  	s2 =	sld [smem:$0x3F93];
	s0 =	simm.s32 @p1 $0x1  }
0x15: {  	[smem:$0x3FB0] =	sst s0;
	s0 =	simm.s32 @!p2 $0x0  }
0x16: {  	s3 =	sld [smem:$0x3FDB];
	s0 =	simm.s32 @p2 $0x1  }
0x17: {  	s4 =	simm.s32 $0x1BF5;
	[smem:$0x3FB2] =	sst s0  }
0x18: {  	s0 =	sld [smem:$0x3F95];
	_ =	swait.ge [sflag:s4], $0x0  }
0x19: {  	s7 =	sld [smem:$0x3F96]  }
0x1a: {  	s8 =	sadd.s32 $0xFFFFE003, lr  }
0x1b: {  	s9 =	sadd.s32 $0xFFFFFEF7, lr;
	s5 =	simm.s32 $0xFFFFFFFF;
	p2 =	slt.u32 s8, $0xFFFFF086  }
0x1c: {  	p1 =	slt.u32 s9, $0xF7A;
	s5 =	simm.s32 @!p2 $0x0  }
0x1d: {  	s5 =	simm.s32 @p1 $0x1;
	p0 =	seq.s32 s7, s2  }
0x1e: {  	s7 =	smul.u32 @!p0 $0xF7A, s2;
	p2 =	seq.s32 @!p0 s5, $0x0  }
0x1f: {  	s9 =	smul.u32 $0xF7A, s1;
	s8 =	simm.s32 @!p0 $0x1BF5;
	p2 =	por !p2, p0  }
0x20: {  	[sflag:s8] =	ssyncset.s32 @!p0 $0xFFFFF086;
	s6 =	sadd.s32 @!p0 s3, s7;
	s7 =	simm.s32 @!p0 $0x108  }
0x21: {  	s3 =	sadd.s32 s3, s9;
	s6 =	sadd.s32 @!p0 $0x88, s6;
	s7 =	simm.s32 @p2 $0x1082  }
0x22: {  	[simem:s7], [sflag:s8] =	dma.local @!p0 [hbm:s6], $0xF7A  }
0x23: {  	s9 =	sor.u32 $0xD0000000, s2;
	s6 =	simm.s32 $0x108;
	_ =	swait.ge @!p0 [sflag:s8], $0x0  }
0x24: {  	s3 =	sadd.s32 $0x88, s3;
	s6 =	simm.s32 @!p1 $0x1082;
	[sflag:s4] =	ssyncset.s32 $0xFFFFF086  }
0x25: {  	[simem:s6], [sflag:s4] =	dma.local [hbm:s3], $0xF7A  }
0x26: {  	[smem:$0x3F96] =	sst s1;
	(tag) =	ssettag s2;
	_ =	strace s9  }
0x27: {  	s1 =	sld [smem:$0x3FA6]  }
0x28: {  	s2 =	sld [smem:$0x3FA7]  }
0x29: {  	s4 =	sld [smem:$0x3FA9]  }
0x2a: {  	p0 =	seq.s32 s5, $0x0;
	s5 =	sld [smem:$0x3FAA]  }
0x2b: {  	s6 =	sld [smem:$0x3FAB]  }
0x2c: {  	s7 =	sld [smem:$0x3FAC]  }
0x2d: {  	s3 =	simm.s32 $0x108;
	s8 =	sld [smem:$0x3FAD]  }
0x2e: {  	s3 =	simm.s32 @!p0 $0x1082;
	s9 =	sld [smem:$0x3FAE]  }
0x2f: {  	lr =	sadd.s32 s0, s3;
	s0 =	sld [smem:$0x3FA5]  }
0x30: {  	s3 =	sld [smem:$0x3FA8]  }
0x31: {  	[smem:$0x3FB1] =	sst s10  }
0x32: {  	s10 =	sld [smem:$0x3FAF];
	_ =	sdelay $0x3  }
0x33: {  	p0 =	seq.s32 s10, $0x1;
	s10 =	sld [smem:$0x3FB1];
	_ =	sdelay $0x3  }
0x34: {  	[smem:$0x3FB1] =	sst s10  }
0x35: {  	s10 =	sld [smem:$0x3FB0];
	_ =	sdelay $0x3  }
0x36: {  	p1 =	seq.s32 s10, $0x1;
	s10 =	sld [smem:$0x3FB1];
	_ =	sdelay $0x3  }
0x37: {  	[smem:$0x3FB1] =	sst s10  }
0x38: {  	s10 =	sld [smem:$0x3FB2]  }
0x39: {  	_ = 	snop;
	(pc) =	sbr.ind lr, $3  }
0x3a: {  	_ = 	snop  }
0x3b: {  	_ = 	snop  }
0x3c: {  	p2 =	seq.s32 s10, $0x1;
	s10 =	sld [smem:$0x3FB1]  }
0x3d: {  	_ =	shalt  }
0x3e: {  	_ =	shalt  }
0x3f: {  	_ =	shalt  }
0x40: {  	_ =	shalt  }
0x41: {  	_ =	shalt  }
0x42: {  	_ =	shalt  }
0x43: {  	_ =	shalt  }
0x44: {  	_ =	shalt  }
0x45: {  	_ =	shalt  }
0x46: {  	_ =	shalt  }
0x47: {  	_ =	shalt  }
0x48: {  	_ =	shalt  }
0x49: {  	_ =	shalt  }
0x4a: {  	_ =	shalt  }
0x4b: {  	_ =	shalt  }
0x4c: {  	_ =	shalt  }
0x4d: {  	_ =	shalt  }
0x4e: {  	_ =	shalt  }
0x4f: {  	_ =	shalt  }
0x50: {  	_ =	shalt  }
0x51: {  	_ =	shalt  }
0x52: {  	_ =	shalt  }
0x53: {  	_ =	shalt  }
0x54: {  	_ =	shalt  }
0x55: {  	_ =	shalt  }
0x56: {  	_ =	shalt  }
0x57: {  	_ =	shalt  }
0x58: {  	_ =	shalt  }
0x59: {  	_ =	shalt  }
0x5a: {  	_ =	shalt  }
0x5b: {  	_ =	shalt  }
0x5c: {  	_ =	shalt  }
0x5d: {  	_ =	shalt  }
0x5e: {  	_ =	shalt  }
0x5f: {  	_ =	shalt  }
0x60: {  	_ =	shalt  }
0x61: {  	_ =	shalt  }
0x62: {  	_ =	shalt  }
0x63: {  	_ =	shalt  }
0x64: {  	_ =	shalt  }
0x65: {  	_ =	shalt  }
0x66: {  	_ =	shalt  }
0x67: {  	_ =	shalt  }
0x68: {  	_ =	shalt  }
0x69: {  	_ =	shalt  }
0x6a: {  	_ =	shalt  }
0x6b: {  	_ =	shalt  }
0x6c: {  	_ =	shalt  }
0x6d: {  	_ =	shalt  }
0x6e: {  	_ =	shalt  }
0x6f: {  	_ =	shalt  }
0x70: {  	_ =	shalt  }
0x71: {  	_ =	shalt  }
0x72: {  	_ =	shalt  }
0x73: {  	_ =	shalt  }
0x74: {  	_ =	shalt  }
0x75: {  	_ =	shalt  }
0x76: {  	_ =	shalt  }
0x77: {  	_ =	shalt  }
0x78: {  	_ =	shalt  }
0x79: {  	_ =	shalt  }
0x7a: {  	_ =	shalt  }
0x7b: {  	_ =	shalt  }
0x7c: {  	_ =	shalt  }
0x7d: {  	_ =	shalt  }
0x7e: {  	_ =	shalt  }
0x7f: {  	_ =	shalt  }
0x80: {  	_ =	shalt  }
0x81: {  	_ =	shalt  }
0x82: {  	_ =	shalt  }
0x83: {  	_ =	shalt  }
0x84: {  	_ =	shalt  }
0x85: {  	_ =	shalt  }
0x86: {  	_ =	shalt  }
0x87: {  	_ =	shalt  }
.Lfunc_end0:
.L_simem_size_0:
called_computation.3_lowered:
.L_overlay_start_0:
0x88: {  	s2 =	sld [smem:$0x3FD9]  }
0x89: {  	s3 =	sld [smem:$0x3FFE];
	_ =	sdelay $0x1  }
0x8a: {  	s1 =	srdreg.scid  }
0x8b: {  	s0 =	sand.u32 $0x1, s1  }
0x8c: {  	s16 =	sshll.u32 s0, $0xA;
	s2 =	sadd.s32 s3, s2  }
0x8d: {  	s2 =	sadd.s32 s2, s16  }
0x8e: {  	[smem:$0x3FBD] =	sst s2  }
0x8f: {  	_ = 	snop  }
0x90: {  	(tm) =	ssettm $0x1  }
0x91: {  	s17 =	sld [smem:$0x3FFB];
	_ =	sdelay $0x3  }
0x92: {  	_ =	strace s17  }
0x93: {  	s2 =	sld [smem:$0x3FFC];
	_ =	sdelay $0x3  }
0x94: {  	_ =	strace s2  }
0x95: {  	s2 =	sld [smem:$0x3FFD];
	_ =	sdelay $0x3  }
0x96: {  	_ =	strace s2  }
0x97: {  	_ =	strace $0x8FFFFFFF  }
0x98: {  	s18 =	sld [smem:$0x3FDB];
	_ =	sdelay $0x1  }
0x99: {  	s19 =	simm.s32 $_scs_section_size  }
0x9a: {  	s4 =	simm.s32 $_size__tile_overlayer_lowered;
	s5 =	simm.s32 $_tile_overlayer_lowered  }
0x9b: {  	s22 =	simm.s32 $0x1BFF;
	s21 =	sshll.u32 s5, $0x1;
	s2 =	sadd.s32 s19, s18  }
0x9c: {  	s6 =	simm.s32 $0x0;
	s20 =	sshll.u32 s4, $0x1;
	s4 =	sadd.s32 s21, s2  }
0x9d: {  	[timem:s6], [sflag:s22] =	dma.local [hbm:s4], s20  }
0x9e: {  	_ =	swait.ge [sflag:s22], s20  }
0x9f: {  	s3 =	ssub.s32 $0x0, s20;
	[sflag:s22] =	ssyncset.done $0x0  }
0xa0: {  	[sflag:s22] =	ssyncadd.s32 s3;
	_ =	sdelay $0x1  }
0xa1: {  	s23 =	simm.s32 $0x1B8B  }
0xa2: {  	_ =	swait.ge [sflag:s23], $0x1  }
0xa3: {  	[sflag:s23] =	ssyncset.done $0x0  }
0xa4: {  	s25 =	simm.s32 $0x1B8E;
	s24 =	sld [smem:$0x3FFE];
	[sflag:s23] =	ssyncadd.s32 $0xFFFFFFFF  }
0xa5: {  	s26 =	simm.s32 $execute0_lowered;
	[smem:$0x3FD2] =	sst s25  }
0xa6: {  	s4 =	sshll.u32 s26, $0x1;
	_ =	strace $0x8000004F;
	[dreg:$0x1] =	wrdreg $0xFFFFFFFF  }
0xa7: {  	s28 =	simm.s32 $_size_execute0_lowered;
	s2 =	sadd.s32 s2, s4;
	[dreg:$0x0] =	wrdreg $0x0  }
0xa8: {  	s4 =	sshll.u32 s28, $0x1;
	[dreg:$0x2] =	wrdreg s2  }
0xa9: {  	[dreg:$0x3] =	wrdreg s4  }
0xaa: {  	[dreg:$0x4] =	wrdreg $0xC0  }
0xab: {  	_ =	task [dreg:s6], $0x5FFFF  }
0xac: {  	[dreg:$0x1] =	wrdreg $0xFFFFFFFF  }
0xad: {  	[dreg:$0x0] =	wrdreg $0x60  }
0xae: {  	[dreg:$0x2] =	wrdreg s24  }
0xaf: {  	[dreg:$0x3] =	wrdreg $0x82000  }
0xb0: {  	[dreg:$0x4] =	wrdreg $0x9  }
0xb1: {  	_ =	task.clear_ibuf [dreg:s6], $0x5FFFF;
	_ =	strace $0x9000004F  }
0xb2: {  	s29 =	simm.s32 $0x9;
	_ =	strace $0x80000051  }
0xb3: {  	_ =	swait.ge [sflag:s29], $0x1  }
0xb4: {  	[sflag:s29] =	ssyncadd.s32 $0xFFFFFFFF  }
0xb5: {  	_ =	strace $0x90000051  }
0xb6: {  	_ =	sfence  }
0xb7: {  	s30 =	sld [smem:$0x0];
	_ =	sdelay $0x2  }
0xb8: {  	s31 =	sshll.u32 s1, $0xD;
	s1 =	sshrl.u32 s1, $0x2  }
0xb9: {  	s3 =	sand.u32 $0x4000, s31;
	s1 =	sadd.s32 s1, s30  }
0xba: {  	s0 =	sor.u32 s3, s0;
	s1 =	sshll.u32 s1, $0x11  }
0xbb: {  	s0 =	sor.u32 s1, s0  }
0xbc: {  	s0 =	sadd.s32 $0x8F2B, s0  }
0xbd: {  	[sflag:s0] =	ssyncadd.remote.s32 $0x1  }
0xbe: {  	_ =	sfence.sel $0xFFFF  }
0xbf: {  	[dreg:$0x0] =	wrdreg $0xFFFFFFFF;
	(pc) =	sbr.abs _section_cstart, $3  }
0xc0: {  	[dreg:$0x1] =	wrdreg $0xFFFFFFFF  }
0xc1: {  	_ =	task.clear_ibuf [dreg:s6], $0x2FFFF;
	_ =	strace $0x9FFFFFFF  }
0xc2: {  	(tm) =	ssettm $0x7FFFFFFF  }
0xc3: {  	_ =	shalt  }
tec
execute0_lowered:
.L_overlay_start_1:
0x0: {  	(tag) =	ssettag $0x1  }
0x1: {  	s6 =	rddreg [dreg:$0x0]  }
0x2: {  	s2 =	rddreg [dreg:$0x1]  }
0x3: {  	s0 =	rddreg [dreg:$0x2];
	s3 =	simm.s32 $0x0;
	s1 =	stileid.u32  }
0x4: {  	s5 =	srdreg.scid;
	s20 =	simm.s32 $0x100;
	s21 =	simm.s32 $0x1  }
0x5: {  	s22 =	simm.s32 $0x4200;
	s23 =	simm.s32 $0x180;
	s7 =	smul.u32 $0x13C00, s1  }
0x6: {  	s24 =	simm.s32 $0x0;
	[smem:$0x7FF] =	sst s3;
	s11 =	smul.u32 $0x4F000, s1  }
0x7: {  	s4 =	sadd.s32 $0xA2E00, s6;
	s8 =	sand.u32 $0x1, s5;
	s12 =	smul.u32 $0x4F00, s1  }
0x8: {  	s5 =	sadd.s32 $0x8F000, s6;
	s13 =	sadd.s32 $0x85000, s6;
	s18 =	smul.u32 $0x9E0, s1  }
0x9: {  	s29 =	sshll.u32 s1, $0x6;
	_ =	strace $0x80000050;
	s10 =	smul.u32 $0x13C000, s8  }
0xa: {  	s26 =	ssub.s32 $0x2, s8;
	s8 =	smul.u32 $0x4F000, s8;
	s9 =	sshrl.u32 s7, $0x3  }
0xb: {  	s14 =	sshrl.u32 s26, $0x1;
	s28 =	sshrl.u32 s11, $0x2;
	s30 =	sshrl.u32 s12, $0x3  }
0xc: {  	s9 =	sadd.s32 s9, s6;
	s7 =	sadd.s32 s7, s10;
	s14 =	ssub.s32 s26, s14  }
0xd: {  	s16 =	sadd.s32 s28, s2;
	s17 =	sadd.s32 s12, s8;
	s7 =	sshrl.u32 s7, $0x3  }
0xe: {  	s8 =	sshrl.u32 s17, $0x3;
	s19 =	sadd.s32 $0x180, s17;
	s12 =	smax.u32 s14, $0x1  }
0xf: {  	s16 =	sshrl.u32 s16, $0x3;
	s15 =	sadd.s32 s7, s6;
	s6 =	sadd.s32 $0xE000, s9  }
0x10: {  	s7 =	sor.u32 $0x1C02, s29;
	s8 =	sadd.s32 s5, s8;
	s9 =	sadd.s32 s13, s30  }
0x11: {  	s31 =	sshrl.u32 s19, $0x3;
	s13 =	sadd.s32 s18, s13;
	s18 =	simm.s32 $0x80  }
0x12: {  	s19 =	simm.s32 $0x200;
	s10 =	sadd.s32 $0x10, s8;
	s11 =	sadd.s32 $0xF1000, s15  }
0x13: {  	s14 =	sadd.s32 s31, s5;
	s15 =	sadd.s32 $0x100, s17;
	s17 =	simm.s32 $0x2  }
.LBB2_1:
0x14: {  	[spmem:s16], [sflag:s7] =	dma.local [hbm:s6], $0x2780  }
0x15: {  	_ =	swait.ge [sflag:s17], $0x2780  }
0x16: {  	[sflag:s17] =	ssyncset.done $0x0  }
0x17: {  	[sflag:s17] =	ssyncadd.s32 $0xFFFFD880  }
0x18: {  	[bflag:$0x0] =	sbarrier.arrive $0xFFFF  }
0x19: {  	[tilespmem:s3], [sflag:$0x2] =	stream.linear.gather [hbm4b:s8+s3], $0x80, $0x38;
	[tilespmem:$0x1BE00] =	vst v63  }
0x1a: {  	_ =	swait.ge [sflag:s17], $0x80  }
0x1b: {  	[sflag:s17] =	ssyncset.done $0x0  }
0x1c: {  	[sflag:s17] =	ssyncadd.s32 $0xFFFFFF80  }
0x1d: {  	[tilespmem:s19], [sflag:$0x1] =	stream.indirect.gather [hbm4b:s4+s18], $0x80, s3, s18, $0xb8;
	[tilespmem:$0x1BE00] =	vst v63  }
0x1e: {  	_ = 	snop  }
0x1f: {  	[tilespmem:s20], [sflag:$0x2] =	stream.linear.gather [hbm4b:s9+s3], $0x80, $0x38;
	[tilespmem:$0x1BE00] =	vst v63  }
0x20: {  	_ =	swait.ge [sflag:s17], $0x80  }
0x21: {  	[sflag:s17] =	ssyncset.done $0x0  }
0x22: {  	[sflag:s17] =	ssyncadd.s32 $0xFFFFFF80  }
0x23: {  	[tilespmem:s18], [sflag:$0x2] =	stream.linear.gather [hbm4b:s10+s3], $0x80, $0x38;
	[tilespmem:$0x1BE00] =	vst v63  }
0x24: {  	_ =	swait.ge [sflag:s17], $0x80  }
0x25: {  	[sflag:s17] =	ssyncset.done $0x0  }
0x26: {  	[sflag:s17] =	ssyncadd.s32 $0xFFFFFF80  }
0x27: {  	_ =	swait.ge [sflag:s21], $0x4000  }
0x28: {  	[sflag:s21] =	ssyncset.done $0x0  }
0x29: {  	[sflag:s21] =	ssyncadd.s32 $0xFFFFC000  }
0x2a: {  	[tilespmem:s22], [sflag:$0x1] =	stream.indirect.gather [hbm4b:s4+s18], $0x80, s18, s18, $0xb8;
	[tilespmem:$0x1BE00] =	vst v63  }
0x2b: {  	_ = 	snop  }
0x2c: {  	[spmem:s2] =	stream.indirect.scatter.add.f32 [tilespmem:s19], [sflag:$0x2], $0x80, s20, s18, $0xb8;
	[tilespmem:$0x1BE00] =	vst v63  }
0x2d: {  	_ =	swait.ge [sflag:s17], $0x4000  }
0x2e: {  	s25 =	sadd.s32 $0x0, s13;
	[sflag:s17] =	ssyncset.done $0x0  }
0x2f: {  	s26 =	sadd.s32 $0x10, s25;
	[sflag:s17] =	ssyncadd.s32 $0xFFFFC000  }
0x30: {  	[tilespmem:s23], [sflag:$0x2] =	stream.linear.gather [hbm4b:s26+s3], $0x80, $0x38;
	[tilespmem:$0x1BE00] =	vst v63  }
0x31: {  	_ =	swait.ge [sflag:s17], $0x80  }
0x32: {  	s30 =	sshrl.u32 s15, $0x3;
	[sflag:s17] =	ssyncset.done $0x0  }
0x33: {  	s26 =	sadd.s32 s5, s30;
	[sflag:s17] =	ssyncadd.s32 $0xFFFFFF80  }
0x34: {  	[tilespmem:s3], [sflag:$0x2] =	stream.linear.gather [hbm4b:s26+s3], $0x80, $0x38;
	[tilespmem:$0x1BE00] =	vst v63  }
0x35: {  	_ =	swait.ge [sflag:s17], $0x80  }
0x36: {  	[sflag:s17] =	ssyncset.done $0x0  }
0x37: {  	[sflag:s17] =	ssyncadd.s32 $0xFFFFFF80  }
0x38: {  	_ =	swait.ge [sflag:s21], $0x4000  }
0x39: {  	[sflag:s21] =	ssyncset.done $0x0  }
0x3a: {  	[sflag:s21] =	ssyncadd.s32 $0xFFFFC000  }
0x3b: {  	[tilespmem:s19], [sflag:$0x1] =	stream.indirect.gather [hbm4b:s4+s18], $0x80, s3, s18, $0xb8;
	[tilespmem:$0x1BE00] =	vst v63  }
0x3c: {  	_ = 	snop  }
0x3d: {  	[spmem:s2] =	stream.indirect.scatter.add.f32 [tilespmem:s22], [sflag:$0x2], $0x80, s23, s18, $0xb8;
	[tilespmem:$0x1BE00] =	vst v63  }
0x3e: {  	_ =	swait.ge [sflag:s17], $0x4000  }
0x3f: {  	[sflag:s17] =	ssyncset.done $0x0  }
0x40: {  	s25 =	sadd.s32 $0x20, s25;
	[sflag:s17] =	ssyncadd.s32 $0xFFFFC000  }
0x41: {  	[tilespmem:s20], [sflag:$0x2] =	stream.linear.gather [hbm4b:s25+s3], $0x80, $0x38;
	[tilespmem:$0x1BE00] =	vst v63  }
0x42: {  	_ =	swait.ge [sflag:s17], $0x80  }
0x43: {  	[sflag:s17] =	ssyncset.done $0x0  }
0x44: {  	s31 =	sadd.s32 $0x0, s14;
	[sflag:s17] =	ssyncadd.s32 $0xFFFFFF80  }
0x45: {  	[tilespmem:s18], [sflag:$0x2] =	stream.linear.gather [hbm4b:s31+s3], $0x80, $0x38;
	[tilespmem:$0x1BE00] =	vst v63  }
0x46: {  	_ =	swait.ge [sflag:s17], $0x80  }
0x47: {  	s26 =	smov.u32 s15;
	s25 =	simm.s32 $0x20;
	[sflag:s17] =	ssyncset.done $0x0  }
.LBB2_2:
0x48: {  	p0 =	sne.s32 s25, $0x9C0;
	[sflag:s17] =	ssyncadd.s32 $0xFFFFFF80;
	s26 =	sadd.s32 $0x100, s26  }
0x49: {  	s28 =	smov.u32 s25;
	s25 =	sadd.s32 $0x20, s25;
	_ =	swait.ge [sflag:s21], $0x4000  }
0x4a: {  	[sflag:s21] =	ssyncset.done $0x0  }
0x4b: {  	[sflag:s21] =	ssyncadd.s32 $0xFFFFC000  }
0x4c: {  	[tilespmem:s22], [sflag:$0x1] =	stream.indirect.gather [hbm4b:s4+s18], $0x80, s18, s18, $0xb8;
	[tilespmem:$0x1BE00] =	vst v63  }
0x4d: {  	_ = 	snop  }
0x4e: {  	[spmem:s2] =	stream.indirect.scatter.add.f32 [tilespmem:s19], [sflag:$0x2], $0x80, s20, s18, $0xb8;
	[tilespmem:$0x1BE00] =	vst v63  }
0x4f: {  	_ =	swait.ge [sflag:s17], $0x4000  }
0x50: {  	s29 =	sadd.s32 s28, s13;
	[sflag:s17] =	ssyncset.done $0x0  }
0x51: {  	s30 =	sadd.s32 $0x10, s29;
	[sflag:s17] =	ssyncadd.s32 $0xFFFFC000  }
0x52: {  	[tilespmem:s23], [sflag:$0x2] =	stream.linear.gather [hbm4b:s30+s3], $0x80, $0x38;
	[tilespmem:$0x1BE00] =	vst v63  }
0x53: {  	_ =	swait.ge [sflag:s17], $0x80  }
0x54: {  	s30 =	sshrl.u32 s26, $0x3;
	[sflag:s17] =	ssyncset.done $0x0  }
0x55: {  	s30 =	sadd.s32 s5, s30;
	[sflag:s17] =	ssyncadd.s32 $0xFFFFFF80  }
0x56: {  	[tilespmem:s3], [sflag:$0x2] =	stream.linear.gather [hbm4b:s30+s3], $0x80, $0x38;
	[tilespmem:$0x1BE00] =	vst v63  }
0x57: {  	_ =	swait.ge [sflag:s17], $0x80  }
0x58: {  	[sflag:s17] =	ssyncset.done $0x0  }
0x59: {  	[sflag:s17] =	ssyncadd.s32 $0xFFFFFF80  }
0x5a: {  	_ =	swait.ge [sflag:s21], $0x4000  }
0x5b: {  	[sflag:s21] =	ssyncset.done $0x0  }
0x5c: {  	[sflag:s21] =	ssyncadd.s32 $0xFFFFC000  }
0x5d: {  	[tilespmem:s19], [sflag:$0x1] =	stream.indirect.gather [hbm4b:s4+s18], $0x80, s3, s18, $0xb8;
	[tilespmem:$0x1BE00] =	vst v63  }
0x5e: {  	_ = 	snop  }
0x5f: {  	[spmem:s2] =	stream.indirect.scatter.add.f32 [tilespmem:s22], [sflag:$0x2], $0x80, s23, s18, $0xb8;
	[tilespmem:$0x1BE00] =	vst v63  }
0x60: {  	_ =	swait.ge [sflag:s17], $0x4000  }
0x61: {  	[sflag:s17] =	ssyncset.done $0x0  }
0x62: {  	s29 =	sadd.s32 $0x20, s29;
	[sflag:s17] =	ssyncadd.s32 $0xFFFFC000  }
0x63: {  	[tilespmem:s20], [sflag:$0x2] =	stream.linear.gather [hbm4b:s29+s3], $0x80, $0x38;
	[tilespmem:$0x1BE00] =	vst v63  }
0x64: {  	_ =	swait.ge [sflag:s17], $0x80  }
.Ltmp0:
0x65: {  	[sflag:s17] =	ssyncset.done $0x0;
	(pc) =	sbr.rel @p0 .LBB2_2-.Ltmp0, $4  }
0x66: {  	s28 =	sadd.s32 s28, s14;
	[sflag:s17] =	ssyncadd.s32 $0xFFFFFF80  }
0x67: {  	[tilespmem:s18], [sflag:$0x2] =	stream.linear.gather [hbm4b:s28+s3], $0x80, $0x38;
	[tilespmem:$0x1BE00] =	vst v63  }
0x68: {  	_ =	swait.ge [sflag:s17], $0x80  }
0x69: {  	[sflag:s17] =	ssyncset.done $0x0  }
0x6a: {  	[sflag:s17] =	ssyncadd.s32 $0xFFFFFF80  }
0x6b: {  	_ =	swait.ge [sflag:s21], $0x4000  }
0x6c: {  	s24 =	sadd.s32 $0x1, s24;
	[sflag:s21] =	ssyncset.done $0x0  }
0x6d: {  	p0 =	sne.s32 s24, s12;
	[sflag:s21] =	ssyncadd.s32 $0xFFFFC000  }
.Ltmp1:
0x6e: {  	[bflag:$0x0] =	sbarrier.arrive $0xFFFF;
	(pc) =	sbr.rel @p0 .LBB2_1-.Ltmp1, $4  }
0x6f: {  	[hbm:s11], [sflag:s7] =	dma.local [spmem:s16], $0x2780  }
0x70: {  	_ =	swait.ge [sflag:s17], $0x2780  }
0x71: {  	[sflag:s17] =	ssyncset.done $0x0  }
0x72: {  	[sflag:s17] =	ssyncadd.s32 $0xFFFFD880  }
0x73: {  	_ =	sfence.sel $0x180000  }
0x74: {  	[bflag:$0x0] =	sbarrier.arrive $0xFFFF  }
0x75: {  	p0 =	sne.s32 s1, $0x0;
	_ =	strace $0x90000050  }
0x76: {  	s0 =	sadd.s32 @!p0 $0x100000, s0;
	[bflag:$0x2] =	sbarrier.arrive $0xFFFF  }
0x77: {  	[sflag:s0] =	ssyncadd.tile.s32 @!p0 $0x1;
	_ =	shalt  }
.Lfunc_end2:
_tile_overlayer_lowered:
.L_overlay_start_2:
0x78: {  	(tag) =	ssettag $0x2  }
0x79: {  	s0 =	rddreg [dreg:$0x0];
	s2 =	stileid.u32  }
0x7a: {  	s1 =	rddreg [dreg:$0x1];
	p0 =	sne.s32 s2, $0x0  }
0x7b: {  	s3 =	rddreg [dreg:$0x2];
	[bflag:$0x3] =	sbarrier.arrive $0xFFFF;
	s2 =	simm.s32 @!p0 $0x1C02  }
0x7c: {  	[timem:s3], [sflag:s2] =	dma.local @!p0 [hbm:s0], s1  }
0x7d: {  	s0 =	simm.s32 @!p0 $0x2  }
0x7e: {  	_ =	swait.ge @!p0 [sflag:s0], s1  }
0x7f: {  	s1 =	ssub.s32 @!p0 $0x0, s1;
	[sflag:s0] =	ssyncset.done @!p0 $0x0  }
0x80: {  	[sflag:s0] =	ssyncadd.s32 @!p0 s1  }
0x81: {  	[bflag:$0x3] =	sbarrier.arrive $0xFFFF  }
0x82: {  	_ =	shalt  }

// kernel: gcn_edge_scatter.5.cloned.1.call-start
scs
__scs_entry_jumppad:
0x0: {  	(pc) =	sbr.rel $0x88, $3  }
0x1: {  	(tag) =	ssettag $0x0;
	lr =	simm.s32 $0x1  }
0x2: {  	[smem:$0x3F96] =	sst lr;
	_ =	strace $0xD0000000  }
0x3: {  	_ = 	snop  }
0x4: {  	_ = 	snop  }
0x5: {  	_ = 	snop  }
0x6: {  	_ = 	snop  }
0x7: {  	_ = 	snop  }
__scs_overlays_trampoline_lowered:
0x8: {  	[smem:$0x3FA5] =	sst s0  }
0x9: {  	[smem:$0x3FA6] =	sst s1  }
0xa: {  	[smem:$0x3FA7] =	sst s2  }
0xb: {  	[smem:$0x3FA8] =	sst s3  }
0xc: {  	[smem:$0x3FA9] =	sst s4  }
0xd: {  	[smem:$0x3FAA] =	sst s5  }
0xe: {  	[smem:$0x3FAB] =	sst s6  }
0xf: {  	[smem:$0x3FAC] =	sst s7  }
0x10: {  	[smem:$0x3FAD] =	sst s8  }
0x11: {  	[smem:$0x3FAE] =	sst s9;
	s0 =	simm.s32 @!p0 $0x0  }
0x12: {  	s1 =	sld [smem:$0x3F94];
	s0 =	simm.s32 @p0 $0x1  }
0x13: {  	[smem:$0x3FAF] =	sst s0;
	s0 =	simm.s32 @!p1 $0x0  }
0x14: {  	s2 =	sld [smem:$0x3F93];
	s0 =	simm.s32 @p1 $0x1  }
0x15: {  	[smem:$0x3FB0] =	sst s0;
	s0 =	simm.s32 @!p2 $0x0  }
0x16: {  	s3 =	sld [smem:$0x3FDB];
	s0 =	simm.s32 @p2 $0x1  }
0x17: {  	s4 =	simm.s32 $0x1BF5;
	[smem:$0x3FB2] =	sst s0  }
0x18: {  	s0 =	sld [smem:$0x3F95];
	_ =	swait.ge [sflag:s4], $0x0  }
0x19: {  	s7 =	sld [smem:$0x3F96]  }
0x1a: {  	s8 =	sadd.s32 $0xFFFFE003, lr  }
0x1b: {  	s9 =	sadd.s32 $0xFFFFFEF7, lr;
	s5 =	simm.s32 $0xFFFFFFFF;
	p2 =	slt.u32 s8, $0xFFFFF086  }
0x1c: {  	p1 =	slt.u32 s9, $0xF7A;
	s5 =	simm.s32 @!p2 $0x0  }
0x1d: {  	s5 =	simm.s32 @p1 $0x1;
	p0 =	seq.s32 s7, s2  }
0x1e: {  	s7 =	smul.u32 @!p0 $0xF7A, s2;
	p2 =	seq.s32 @!p0 s5, $0x0  }
0x1f: {  	s9 =	smul.u32 $0xF7A, s1;
	s8 =	simm.s32 @!p0 $0x1BF5;
	p2 =	por !p2, p0  }
0x20: {  	[sflag:s8] =	ssyncset.s32 @!p0 $0xFFFFF086;
	s6 =	sadd.s32 @!p0 s3, s7;
	s7 =	simm.s32 @!p0 $0x108  }
0x21: {  	s3 =	sadd.s32 s3, s9;
	s6 =	sadd.s32 @!p0 $0x88, s6;
	s7 =	simm.s32 @p2 $0x1082  }
0x22: {  	[simem:s7], [sflag:s8] =	dma.local @!p0 [hbm:s6], $0xF7A  }
0x23: {  	s9 =	sor.u32 $0xD0000000, s2;
	s6 =	simm.s32 $0x108;
	_ =	swait.ge @!p0 [sflag:s8], $0x0  }
0x24: {  	s3 =	sadd.s32 $0x88, s3;
	s6 =	simm.s32 @!p1 $0x1082;
	[sflag:s4] =	ssyncset.s32 $0xFFFFF086  }
0x25: {  	[simem:s6], [sflag:s4] =	dma.local [hbm:s3], $0xF7A  }
0x26: {  	[smem:$0x3F96] =	sst s1;
	(tag) =	ssettag s2;
	_ =	strace s9  }
0x27: {  	s1 =	sld [smem:$0x3FA6]  }
0x28: {  	s2 =	sld [smem:$0x3FA7]  }
0x29: {  	s4 =	sld [smem:$0x3FA9]  }
0x2a: {  	p0 =	seq.s32 s5, $0x0;
	s5 =	sld [smem:$0x3FAA]  }
0x2b: {  	s6 =	sld [smem:$0x3FAB]  }
0x2c: {  	s7 =	sld [smem:$0x3FAC]  }
0x2d: {  	s3 =	simm.s32 $0x108;
	s8 =	sld [smem:$0x3FAD]  }
0x2e: {  	s3 =	simm.s32 @!p0 $0x1082;
	s9 =	sld [smem:$0x3FAE]  }
0x2f: {  	lr =	sadd.s32 s0, s3;
	s0 =	sld [smem:$0x3FA5]  }
0x30: {  	s3 =	sld [smem:$0x3FA8]  }
0x31: {  	[smem:$0x3FB1] =	sst s10  }
0x32: {  	s10 =	sld [smem:$0x3FAF];
	_ =	sdelay $0x3  }
0x33: {  	p0 =	seq.s32 s10, $0x1;
	s10 =	sld [smem:$0x3FB1];
	_ =	sdelay $0x3  }
0x34: {  	[smem:$0x3FB1] =	sst s10  }
0x35: {  	s10 =	sld [smem:$0x3FB0];
	_ =	sdelay $0x3  }
0x36: {  	p1 =	seq.s32 s10, $0x1;
	s10 =	sld [smem:$0x3FB1];
	_ =	sdelay $0x3  }
0x37: {  	[smem:$0x3FB1] =	sst s10  }
0x38: {  	s10 =	sld [smem:$0x3FB2]  }
0x39: {  	_ = 	snop;
	(pc) =	sbr.ind lr, $3  }
0x3a: {  	_ = 	snop  }
0x3b: {  	_ = 	snop  }
0x3c: {  	p2 =	seq.s32 s10, $0x1;
	s10 =	sld [smem:$0x3FB1]  }
0x3d: {  	_ =	shalt  }
0x3e: {  	_ =	shalt  }
0x3f: {  	_ =	shalt  }
0x40: {  	_ =	shalt  }
0x41: {  	_ =	shalt  }
0x42: {  	_ =	shalt  }
0x43: {  	_ =	shalt  }
0x44: {  	_ =	shalt  }
0x45: {  	_ =	shalt  }
0x46: {  	_ =	shalt  }
0x47: {  	_ =	shalt  }
0x48: {  	_ =	shalt  }
0x49: {  	_ =	shalt  }
0x4a: {  	_ =	shalt  }
0x4b: {  	_ =	shalt  }
0x4c: {  	_ =	shalt  }
0x4d: {  	_ =	shalt  }
0x4e: {  	_ =	shalt  }
0x4f: {  	_ =	shalt  }
0x50: {  	_ =	shalt  }
0x51: {  	_ =	shalt  }
0x52: {  	_ =	shalt  }
0x53: {  	_ =	shalt  }
0x54: {  	_ =	shalt  }
0x55: {  	_ =	shalt  }
0x56: {  	_ =	shalt  }
0x57: {  	_ =	shalt  }
0x58: {  	_ =	shalt  }
0x59: {  	_ =	shalt  }
0x5a: {  	_ =	shalt  }
0x5b: {  	_ =	shalt  }
0x5c: {  	_ =	shalt  }
0x5d: {  	_ =	shalt  }
0x5e: {  	_ =	shalt  }
0x5f: {  	_ =	shalt  }
0x60: {  	_ =	shalt  }
0x61: {  	_ =	shalt  }
0x62: {  	_ =	shalt  }
0x63: {  	_ =	shalt  }
0x64: {  	_ =	shalt  }
0x65: {  	_ =	shalt  }
0x66: {  	_ =	shalt  }
0x67: {  	_ =	shalt  }
0x68: {  	_ =	shalt  }
0x69: {  	_ =	shalt  }
0x6a: {  	_ =	shalt  }
0x6b: {  	_ =	shalt  }
0x6c: {  	_ =	shalt  }
0x6d: {  	_ =	shalt  }
0x6e: {  	_ =	shalt  }
0x6f: {  	_ =	shalt  }
0x70: {  	_ =	shalt  }
0x71: {  	_ =	shalt  }
0x72: {  	_ =	shalt  }
0x73: {  	_ =	shalt  }
0x74: {  	_ =	shalt  }
0x75: {  	_ =	shalt  }
0x76: {  	_ =	shalt  }
0x77: {  	_ =	shalt  }
0x78: {  	_ =	shalt  }
0x79: {  	_ =	shalt  }
0x7a: {  	_ =	shalt  }
0x7b: {  	_ =	shalt  }
0x7c: {  	_ =	shalt  }
0x7d: {  	_ =	shalt  }
0x7e: {  	_ =	shalt  }
0x7f: {  	_ =	shalt  }
0x80: {  	_ =	shalt  }
0x81: {  	_ =	shalt  }
0x82: {  	_ =	shalt  }
0x83: {  	_ =	shalt  }
0x84: {  	_ =	shalt  }
0x85: {  	_ =	shalt  }
0x86: {  	_ =	shalt  }
0x87: {  	_ =	shalt  }
.Lfunc_end0:
.L_simem_size_0:
called_computation.1_lowered:
.L_overlay_start_0:
0x88: {  	s2 =	sld [smem:$0x3FD9]  }
0x89: {  	s3 =	sld [smem:$0x3FFE];
	_ =	sdelay $0x1  }
0x8a: {  	s1 =	srdreg.scid  }
0x8b: {  	s0 =	sand.u32 $0x1, s1  }
0x8c: {  	s16 =	sshll.u32 s0, $0xA;
	s2 =	sadd.s32 s3, s2  }
0x8d: {  	s2 =	sadd.s32 s2, s16  }
0x8e: {  	[smem:$0x3FBD] =	sst s2  }
0x8f: {  	_ = 	snop  }
0x90: {  	(tm) =	ssettm $0x1  }
0x91: {  	s17 =	sld [smem:$0x3FFB];
	_ =	sdelay $0x3  }
0x92: {  	_ =	strace s17  }
0x93: {  	s2 =	sld [smem:$0x3FFC];
	_ =	sdelay $0x3  }
0x94: {  	_ =	strace s2  }
0x95: {  	s2 =	sld [smem:$0x3FFD];
	_ =	sdelay $0x3  }
0x96: {  	_ =	strace s2  }
0x97: {  	_ =	strace $0x8FFFFFFF  }
0x98: {  	s18 =	sld [smem:$0x3FDB];
	_ =	sdelay $0x1  }
0x99: {  	s19 =	simm.s32 $_scs_section_size  }
0x9a: {  	s4 =	simm.s32 $_size__tile_overlayer_lowered;
	s5 =	simm.s32 $_tile_overlayer_lowered  }
0x9b: {  	s22 =	simm.s32 $0x1BFF;
	s21 =	sshll.u32 s5, $0x1;
	s2 =	sadd.s32 s19, s18  }
0x9c: {  	s6 =	simm.s32 $0x0;
	s20 =	sshll.u32 s4, $0x1;
	s4 =	sadd.s32 s21, s2  }
0x9d: {  	[timem:s6], [sflag:s22] =	dma.local [hbm:s4], s20  }
0x9e: {  	_ =	swait.ge [sflag:s22], s20  }
0x9f: {  	s3 =	ssub.s32 $0x0, s20;
	[sflag:s22] =	ssyncset.done $0x0  }
0xa0: {  	[sflag:s22] =	ssyncadd.s32 s3;
	_ =	sdelay $0x1  }
0xa1: {  	s23 =	simm.s32 $0x1B8B  }
0xa2: {  	_ =	swait.ge [sflag:s23], $0x1  }
0xa3: {  	[sflag:s23] =	ssyncset.done $0x0  }
0xa4: {  	s25 =	simm.s32 $0x1B8E;
	s24 =	sld [smem:$0x3FFE];
	[sflag:s23] =	ssyncadd.s32 $0xFFFFFFFF  }
0xa5: {  	s26 =	simm.s32 $execute0_lowered;
	[smem:$0x3FD2] =	sst s25  }
0xa6: {  	s4 =	sshll.u32 s26, $0x1;
	_ =	strace $0x80000049;
	[dreg:$0x1] =	wrdreg $0xFFFFFFFF  }
0xa7: {  	s28 =	simm.s32 $_size_execute0_lowered;
	s2 =	sadd.s32 s2, s4;
	[dreg:$0x0] =	wrdreg $0x0  }
0xa8: {  	s4 =	sshll.u32 s28, $0x1;
	[dreg:$0x2] =	wrdreg s2  }
0xa9: {  	[dreg:$0x3] =	wrdreg s4  }
0xaa: {  	[dreg:$0x4] =	wrdreg $0xC0  }
0xab: {  	_ =	task [dreg:s6], $0x5FFFF  }
0xac: {  	[dreg:$0x1] =	wrdreg $0xFFFFFFFF  }
0xad: {  	[dreg:$0x0] =	wrdreg $0x60  }
0xae: {  	[dreg:$0x2] =	wrdreg s24  }
0xaf: {  	[dreg:$0x3] =	wrdreg $0x82000  }
0xb0: {  	[dreg:$0x4] =	wrdreg $0x9  }
0xb1: {  	_ =	task.clear_ibuf [dreg:s6], $0x5FFFF;
	_ =	strace $0x90000049  }
0xb2: {  	s29 =	simm.s32 $0x9;
	_ =	strace $0x8000004B  }
0xb3: {  	_ =	swait.ge [sflag:s29], $0x1  }
0xb4: {  	[sflag:s29] =	ssyncadd.s32 $0xFFFFFFFF  }
0xb5: {  	_ =	strace $0x9000004B  }
0xb6: {  	_ =	sfence  }
0xb7: {  	s30 =	sld [smem:$0x0];
	_ =	sdelay $0x2  }
0xb8: {  	s31 =	sshll.u32 s1, $0xD;
	s1 =	sshrl.u32 s1, $0x2  }
0xb9: {  	s3 =	sand.u32 $0x4000, s31;
	s1 =	sadd.s32 s1, s30  }
0xba: {  	s0 =	sor.u32 s3, s0;
	s1 =	sshll.u32 s1, $0x11  }
0xbb: {  	s0 =	sor.u32 s1, s0  }
0xbc: {  	s0 =	sadd.s32 $0x8F2B, s0  }
0xbd: {  	[sflag:s0] =	ssyncadd.remote.s32 $0x1  }
0xbe: {  	_ =	sfence.sel $0xFFFF  }
0xbf: {  	[dreg:$0x0] =	wrdreg $0xFFFFFFFF;
	(pc) =	sbr.abs _section_cstart, $3  }
0xc0: {  	[dreg:$0x1] =	wrdreg $0xFFFFFFFF  }
0xc1: {  	_ =	task.clear_ibuf [dreg:s6], $0x2FFFF;
	_ =	strace $0x9FFFFFFF  }
0xc2: {  	(tm) =	ssettm $0x7FFFFFFF  }
0xc3: {  	_ =	shalt  }
tec
execute0_lowered:
.L_overlay_start_1:
0x0: {  	(tag) =	ssettag $0x1  }
0x1: {  	s6 =	rddreg [dreg:$0x0]  }
0x2: {  	s2 =	rddreg [dreg:$0x1]  }
0x3: {  	s0 =	rddreg [dreg:$0x2];
	s3 =	simm.s32 $0x0;
	s1 =	stileid.u32  }
0x4: {  	s5 =	srdreg.scid;
	s20 =	simm.s32 $0x100;
	s21 =	simm.s32 $0x1  }
0x5: {  	s22 =	simm.s32 $0x4200;
	s23 =	simm.s32 $0x180;
	s7 =	smul.u32 $0x13C00, s1  }
0x6: {  	s24 =	simm.s32 $0x0;
	[smem:$0x7FF] =	sst s3;
	s11 =	smul.u32 $0x4F000, s1  }
0x7: {  	s4 =	sadd.s32 $0xA2E00, s6;
	s8 =	sand.u32 $0x1, s5;
	s12 =	smul.u32 $0x4F00, s1  }
0x8: {  	s5 =	sadd.s32 $0x8F000, s6;
	s13 =	sadd.s32 $0x85000, s6;
	s18 =	smul.u32 $0x9E0, s1  }
0x9: {  	s29 =	sshll.u32 s1, $0x6;
	_ =	strace $0x8000004A;
	s10 =	smul.u32 $0x13C000, s8  }
0xa: {  	s26 =	ssub.s32 $0x2, s8;
	s8 =	smul.u32 $0x4F000, s8;
	s9 =	sshrl.u32 s7, $0x3  }
0xb: {  	s14 =	sshrl.u32 s26, $0x1;
	s28 =	sshrl.u32 s11, $0x2;
	s30 =	sshrl.u32 s12, $0x3  }
0xc: {  	s9 =	sadd.s32 s9, s6;
	s7 =	sadd.s32 s7, s10;
	s14 =	ssub.s32 s26, s14  }
0xd: {  	s16 =	sadd.s32 s28, s2;
	s17 =	sadd.s32 s12, s8;
	s7 =	sshrl.u32 s7, $0x3  }
0xe: {  	s8 =	sshrl.u32 s17, $0x3;
	s19 =	sadd.s32 $0x180, s17;
	s12 =	smax.u32 s14, $0x1  }
0xf: {  	s16 =	sshrl.u32 s16, $0x3;
	s15 =	sadd.s32 s7, s6;
	s6 =	sadd.s32 $0xE000, s9  }
0x10: {  	s7 =	sor.u32 $0x1C02, s29;
	s8 =	sadd.s32 s5, s8;
	s9 =	sadd.s32 s13, s30  }
0x11: {  	s31 =	sshrl.u32 s19, $0x3;
	s13 =	sadd.s32 s18, s13;
	s18 =	simm.s32 $0x80  }
0x12: {  	s19 =	simm.s32 $0x200;
	s10 =	sadd.s32 $0x10, s8;
	s11 =	sadd.s32 $0xF1000, s15  }
0x13: {  	s14 =	sadd.s32 s31, s5;
	s15 =	sadd.s32 $0x100, s17;
	s17 =	simm.s32 $0x2  }
.LBB2_1:
0x14: {  	[spmem:s16], [sflag:s7] =	dma.local [hbm:s6], $0x2780  }
0x15: {  	_ =	swait.ge [sflag:s17], $0x2780  }
0x16: {  	[sflag:s17] =	ssyncset.done $0x0  }
0x17: {  	[sflag:s17] =	ssyncadd.s32 $0xFFFFD880  }
0x18: {  	[bflag:$0x0] =	sbarrier.arrive $0xFFFF  }
0x19: {  	[tilespmem:s3], [sflag:$0x2] =	stream.linear.gather [hbm4b:s8+s3], $0x80, $0x38;
	[tilespmem:$0x1BE00] =	vst v63  }
0x1a: {  	_ =	swait.ge [sflag:s17], $0x80  }
0x1b: {  	[sflag:s17] =	ssyncset.done $0x0  }
0x1c: {  	[sflag:s17] =	ssyncadd.s32 $0xFFFFFF80  }
0x1d: {  	[tilespmem:s19], [sflag:$0x1] =	stream.indirect.gather [hbm4b:s4+s18], $0x80, s3, s18, $0xb8;
	[tilespmem:$0x1BE00] =	vst v63  }
0x1e: {  	_ = 	snop  }
0x1f: {  	[tilespmem:s20], [sflag:$0x2] =	stream.linear.gather [hbm4b:s9+s3], $0x80, $0x38;
	[tilespmem:$0x1BE00] =	vst v63  }
0x20: {  	_ =	swait.ge [sflag:s17], $0x80  }
0x21: {  	[sflag:s17] =	ssyncset.done $0x0  }
0x22: {  	[sflag:s17] =	ssyncadd.s32 $0xFFFFFF80  }
0x23: {  	[tilespmem:s18], [sflag:$0x2] =	stream.linear.gather [hbm4b:s10+s3], $0x80, $0x38;
	[tilespmem:$0x1BE00] =	vst v63  }
0x24: {  	_ =	swait.ge [sflag:s17], $0x80  }
0x25: {  	[sflag:s17] =	ssyncset.done $0x0  }
0x26: {  	[sflag:s17] =	ssyncadd.s32 $0xFFFFFF80  }
0x27: {  	_ =	swait.ge [sflag:s21], $0x4000  }
0x28: {  	[sflag:s21] =	ssyncset.done $0x0  }
0x29: {  	[sflag:s21] =	ssyncadd.s32 $0xFFFFC000  }
0x2a: {  	[tilespmem:s22], [sflag:$0x1] =	stream.indirect.gather [hbm4b:s4+s18], $0x80, s18, s18, $0xb8;
	[tilespmem:$0x1BE00] =	vst v63  }
0x2b: {  	_ = 	snop  }
0x2c: {  	[spmem:s2] =	stream.indirect.scatter.add.f32 [tilespmem:s19], [sflag:$0x2], $0x80, s20, s18, $0xb8;
	[tilespmem:$0x1BE00] =	vst v63  }
0x2d: {  	_ =	swait.ge [sflag:s17], $0x4000  }
0x2e: {  	s25 =	sadd.s32 $0x0, s13;
	[sflag:s17] =	ssyncset.done $0x0  }
0x2f: {  	s26 =	sadd.s32 $0x10, s25;
	[sflag:s17] =	ssyncadd.s32 $0xFFFFC000  }
0x30: {  	[tilespmem:s23], [sflag:$0x2] =	stream.linear.gather [hbm4b:s26+s3], $0x80, $0x38;
	[tilespmem:$0x1BE00] =	vst v63  }
0x31: {  	_ =	swait.ge [sflag:s17], $0x80  }
0x32: {  	s30 =	sshrl.u32 s15, $0x3;
	[sflag:s17] =	ssyncset.done $0x0  }
0x33: {  	s26 =	sadd.s32 s5, s30;
	[sflag:s17] =	ssyncadd.s32 $0xFFFFFF80  }
0x34: {  	[tilespmem:s3], [sflag:$0x2] =	stream.linear.gather [hbm4b:s26+s3], $0x80, $0x38;
	[tilespmem:$0x1BE00] =	vst v63  }
0x35: {  	_ =	swait.ge [sflag:s17], $0x80  }
0x36: {  	[sflag:s17] =	ssyncset.done $0x0  }
0x37: {  	[sflag:s17] =	ssyncadd.s32 $0xFFFFFF80  }
0x38: {  	_ =	swait.ge [sflag:s21], $0x4000  }
0x39: {  	[sflag:s21] =	ssyncset.done $0x0  }
0x3a: {  	[sflag:s21] =	ssyncadd.s32 $0xFFFFC000  }
0x3b: {  	[tilespmem:s19], [sflag:$0x1] =	stream.indirect.gather [hbm4b:s4+s18], $0x80, s3, s18, $0xb8;
	[tilespmem:$0x1BE00] =	vst v63  }
0x3c: {  	_ = 	snop  }
0x3d: {  	[spmem:s2] =	stream.indirect.scatter.add.f32 [tilespmem:s22], [sflag:$0x2], $0x80, s23, s18, $0xb8;
	[tilespmem:$0x1BE00] =	vst v63  }
0x3e: {  	_ =	swait.ge [sflag:s17], $0x4000  }
0x3f: {  	[sflag:s17] =	ssyncset.done $0x0  }
0x40: {  	s25 =	sadd.s32 $0x20, s25;
	[sflag:s17] =	ssyncadd.s32 $0xFFFFC000  }
0x41: {  	[tilespmem:s20], [sflag:$0x2] =	stream.linear.gather [hbm4b:s25+s3], $0x80, $0x38;
	[tilespmem:$0x1BE00] =	vst v63  }
0x42: {  	_ =	swait.ge [sflag:s17], $0x80  }
0x43: {  	[sflag:s17] =	ssyncset.done $0x0  }
0x44: {  	s31 =	sadd.s32 $0x0, s14;
	[sflag:s17] =	ssyncadd.s32 $0xFFFFFF80  }
0x45: {  	[tilespmem:s18], [sflag:$0x2] =	stream.linear.gather [hbm4b:s31+s3], $0x80, $0x38;
	[tilespmem:$0x1BE00] =	vst v63  }
0x46: {  	_ =	swait.ge [sflag:s17], $0x80  }
0x47: {  	s26 =	smov.u32 s15;
	s25 =	simm.s32 $0x20;
	[sflag:s17] =	ssyncset.done $0x0  }
.LBB2_2:
0x48: {  	p0 =	sne.s32 s25, $0x9C0;
	[sflag:s17] =	ssyncadd.s32 $0xFFFFFF80;
	s26 =	sadd.s32 $0x100, s26  }
0x49: {  	s28 =	smov.u32 s25;
	s25 =	sadd.s32 $0x20, s25;
	_ =	swait.ge [sflag:s21], $0x4000  }
0x4a: {  	[sflag:s21] =	ssyncset.done $0x0  }
0x4b: {  	[sflag:s21] =	ssyncadd.s32 $0xFFFFC000  }
0x4c: {  	[tilespmem:s22], [sflag:$0x1] =	stream.indirect.gather [hbm4b:s4+s18], $0x80, s18, s18, $0xb8;
	[tilespmem:$0x1BE00] =	vst v63  }
0x4d: {  	_ = 	snop  }
0x4e: {  	[spmem:s2] =	stream.indirect.scatter.add.f32 [tilespmem:s19], [sflag:$0x2], $0x80, s20, s18, $0xb8;
	[tilespmem:$0x1BE00] =	vst v63  }
0x4f: {  	_ =	swait.ge [sflag:s17], $0x4000  }
0x50: {  	s29 =	sadd.s32 s28, s13;
	[sflag:s17] =	ssyncset.done $0x0  }
0x51: {  	s30 =	sadd.s32 $0x10, s29;
	[sflag:s17] =	ssyncadd.s32 $0xFFFFC000  }
0x52: {  	[tilespmem:s23], [sflag:$0x2] =	stream.linear.gather [hbm4b:s30+s3], $0x80, $0x38;
	[tilespmem:$0x1BE00] =	vst v63  }
0x53: {  	_ =	swait.ge [sflag:s17], $0x80  }
0x54: {  	s30 =	sshrl.u32 s26, $0x3;
	[sflag:s17] =	ssyncset.done $0x0  }
0x55: {  	s30 =	sadd.s32 s5, s30;
	[sflag:s17] =	ssyncadd.s32 $0xFFFFFF80  }
0x56: {  	[tilespmem:s3], [sflag:$0x2] =	stream.linear.gather [hbm4b:s30+s3], $0x80, $0x38;
	[tilespmem:$0x1BE00] =	vst v63  }
0x57: {  	_ =	swait.ge [sflag:s17], $0x80  }
0x58: {  	[sflag:s17] =	ssyncset.done $0x0  }
0x59: {  	[sflag:s17] =	ssyncadd.s32 $0xFFFFFF80  }
0x5a: {  	_ =	swait.ge [sflag:s21], $0x4000  }
0x5b: {  	[sflag:s21] =	ssyncset.done $0x0  }
0x5c: {  	[sflag:s21] =	ssyncadd.s32 $0xFFFFC000  }
0x5d: {  	[tilespmem:s19], [sflag:$0x1] =	stream.indirect.gather [hbm4b:s4+s18], $0x80, s3, s18, $0xb8;
	[tilespmem:$0x1BE00] =	vst v63  }
0x5e: {  	_ = 	snop  }
0x5f: {  	[spmem:s2] =	stream.indirect.scatter.add.f32 [tilespmem:s22], [sflag:$0x2], $0x80, s23, s18, $0xb8;
	[tilespmem:$0x1BE00] =	vst v63  }
0x60: {  	_ =	swait.ge [sflag:s17], $0x4000  }
0x61: {  	[sflag:s17] =	ssyncset.done $0x0  }
0x62: {  	s29 =	sadd.s32 $0x20, s29;
	[sflag:s17] =	ssyncadd.s32 $0xFFFFC000  }
0x63: {  	[tilespmem:s20], [sflag:$0x2] =	stream.linear.gather [hbm4b:s29+s3], $0x80, $0x38;
	[tilespmem:$0x1BE00] =	vst v63  }
0x64: {  	_ =	swait.ge [sflag:s17], $0x80  }
.Ltmp0:
0x65: {  	[sflag:s17] =	ssyncset.done $0x0;
	(pc) =	sbr.rel @p0 .LBB2_2-.Ltmp0, $4  }
0x66: {  	s28 =	sadd.s32 s28, s14;
	[sflag:s17] =	ssyncadd.s32 $0xFFFFFF80  }
0x67: {  	[tilespmem:s18], [sflag:$0x2] =	stream.linear.gather [hbm4b:s28+s3], $0x80, $0x38;
	[tilespmem:$0x1BE00] =	vst v63  }
0x68: {  	_ =	swait.ge [sflag:s17], $0x80  }
0x69: {  	[sflag:s17] =	ssyncset.done $0x0  }
0x6a: {  	[sflag:s17] =	ssyncadd.s32 $0xFFFFFF80  }
0x6b: {  	_ =	swait.ge [sflag:s21], $0x4000  }
0x6c: {  	s24 =	sadd.s32 $0x1, s24;
	[sflag:s21] =	ssyncset.done $0x0  }
0x6d: {  	p0 =	sne.s32 s24, s12;
	[sflag:s21] =	ssyncadd.s32 $0xFFFFC000  }
.Ltmp1:
0x6e: {  	[bflag:$0x0] =	sbarrier.arrive $0xFFFF;
	(pc) =	sbr.rel @p0 .LBB2_1-.Ltmp1, $4  }
0x6f: {  	[hbm:s11], [sflag:s7] =	dma.local [spmem:s16], $0x2780  }
0x70: {  	_ =	swait.ge [sflag:s17], $0x2780  }
0x71: {  	[sflag:s17] =	ssyncset.done $0x0  }
0x72: {  	[sflag:s17] =	ssyncadd.s32 $0xFFFFD880  }
0x73: {  	_ =	sfence.sel $0x180000  }
0x74: {  	[bflag:$0x0] =	sbarrier.arrive $0xFFFF  }
0x75: {  	p0 =	sne.s32 s1, $0x0;
	_ =	strace $0x9000004A  }
0x76: {  	s0 =	sadd.s32 @!p0 $0x100000, s0;
	[bflag:$0x2] =	sbarrier.arrive $0xFFFF  }
0x77: {  	[sflag:s0] =	ssyncadd.tile.s32 @!p0 $0x1;
	_ =	shalt  }
.Lfunc_end2:
_tile_overlayer_lowered:
.L_overlay_start_2:
0x78: {  	(tag) =	ssettag $0x2  }
0x79: {  	s0 =	rddreg [dreg:$0x0];
	s2 =	stileid.u32  }
0x7a: {  	s1 =	rddreg [dreg:$0x1];
	p0 =	sne.s32 s2, $0x0  }
0x7b: {  	s3 =	rddreg [dreg:$0x2];
	[bflag:$0x3] =	sbarrier.arrive $0xFFFF;
	s2 =	simm.s32 @!p0 $0x1C02  }
0x7c: {  	[timem:s3], [sflag:s2] =	dma.local @!p0 [hbm:s0], s1  }
0x7d: {  	s0 =	simm.s32 @!p0 $0x2  }
0x7e: {  	_ =	swait.ge @!p0 [sflag:s0], s1  }
0x7f: {  	s1 =	ssub.s32 @!p0 $0x0, s1;
	[sflag:s0] =	ssyncset.done @!p0 $0x0  }
0x80: {  	[sflag:s0] =	ssyncadd.s32 @!p0 s1  }
0x81: {  	[bflag:$0x3] =	sbarrier.arrive $0xFFFF  }
0x82: {  	_ =	shalt  }

// kernel: gcn_edge_scatter.8.cloned.1.call-start
scs
__scs_entry_jumppad:
0x0: {  	(pc) =	sbr.rel $0x88, $3  }
0x1: {  	(tag) =	ssettag $0x0;
	lr =	simm.s32 $0x1  }
0x2: {  	[smem:$0x3F96] =	sst lr;
	_ =	strace $0xD0000000  }
0x3: {  	_ = 	snop  }
0x4: {  	_ = 	snop  }
0x5: {  	_ = 	snop  }
0x6: {  	_ = 	snop  }
0x7: {  	_ = 	snop  }
__scs_overlays_trampoline_lowered:
0x8: {  	[smem:$0x3FA5] =	sst s0  }
0x9: {  	[smem:$0x3FA6] =	sst s1  }
0xa: {  	[smem:$0x3FA7] =	sst s2  }
0xb: {  	[smem:$0x3FA8] =	sst s3  }
0xc: {  	[smem:$0x3FA9] =	sst s4  }
0xd: {  	[smem:$0x3FAA] =	sst s5  }
0xe: {  	[smem:$0x3FAB] =	sst s6  }
0xf: {  	[smem:$0x3FAC] =	sst s7  }
0x10: {  	[smem:$0x3FAD] =	sst s8  }
0x11: {  	[smem:$0x3FAE] =	sst s9;
	s0 =	simm.s32 @!p0 $0x0  }
0x12: {  	s1 =	sld [smem:$0x3F94];
	s0 =	simm.s32 @p0 $0x1  }
0x13: {  	[smem:$0x3FAF] =	sst s0;
	s0 =	simm.s32 @!p1 $0x0  }
0x14: {  	s2 =	sld [smem:$0x3F93];
	s0 =	simm.s32 @p1 $0x1  }
0x15: {  	[smem:$0x3FB0] =	sst s0;
	s0 =	simm.s32 @!p2 $0x0  }
0x16: {  	s3 =	sld [smem:$0x3FDB];
	s0 =	simm.s32 @p2 $0x1  }
0x17: {  	s4 =	simm.s32 $0x1BF5;
	[smem:$0x3FB2] =	sst s0  }
0x18: {  	s0 =	sld [smem:$0x3F95];
	_ =	swait.ge [sflag:s4], $0x0  }
0x19: {  	s7 =	sld [smem:$0x3F96]  }
0x1a: {  	s8 =	sadd.s32 $0xFFFFE003, lr  }
0x1b: {  	s9 =	sadd.s32 $0xFFFFFEF7, lr;
	s5 =	simm.s32 $0xFFFFFFFF;
	p2 =	slt.u32 s8, $0xFFFFF086  }
0x1c: {  	p1 =	slt.u32 s9, $0xF7A;
	s5 =	simm.s32 @!p2 $0x0  }
0x1d: {  	s5 =	simm.s32 @p1 $0x1;
	p0 =	seq.s32 s7, s2  }
0x1e: {  	s7 =	smul.u32 @!p0 $0xF7A, s2;
	p2 =	seq.s32 @!p0 s5, $0x0  }
0x1f: {  	s9 =	smul.u32 $0xF7A, s1;
	s8 =	simm.s32 @!p0 $0x1BF5;
	p2 =	por !p2, p0  }
0x20: {  	[sflag:s8] =	ssyncset.s32 @!p0 $0xFFFFF086;
	s6 =	sadd.s32 @!p0 s3, s7;
	s7 =	simm.s32 @!p0 $0x108  }
0x21: {  	s3 =	sadd.s32 s3, s9;
	s6 =	sadd.s32 @!p0 $0x88, s6;
	s7 =	simm.s32 @p2 $0x1082  }
0x22: {  	[simem:s7], [sflag:s8] =	dma.local @!p0 [hbm:s6], $0xF7A  }
0x23: {  	s9 =	sor.u32 $0xD0000000, s2;
	s6 =	simm.s32 $0x108;
	_ =	swait.ge @!p0 [sflag:s8], $0x0  }
0x24: {  	s3 =	sadd.s32 $0x88, s3;
	s6 =	simm.s32 @!p1 $0x1082;
	[sflag:s4] =	ssyncset.s32 $0xFFFFF086  }
0x25: {  	[simem:s6], [sflag:s4] =	dma.local [hbm:s3], $0xF7A  }
0x26: {  	[smem:$0x3F96] =	sst s1;
	(tag) =	ssettag s2;
	_ =	strace s9  }
0x27: {  	s1 =	sld [smem:$0x3FA6]  }
0x28: {  	s2 =	sld [smem:$0x3FA7]  }
0x29: {  	s4 =	sld [smem:$0x3FA9]  }
0x2a: {  	p0 =	seq.s32 s5, $0x0;
	s5 =	sld [smem:$0x3FAA]  }
0x2b: {  	s6 =	sld [smem:$0x3FAB]  }
0x2c: {  	s7 =	sld [smem:$0x3FAC]  }
0x2d: {  	s3 =	simm.s32 $0x108;
	s8 =	sld [smem:$0x3FAD]  }
0x2e: {  	s3 =	simm.s32 @!p0 $0x1082;
	s9 =	sld [smem:$0x3FAE]  }
0x2f: {  	lr =	sadd.s32 s0, s3;
	s0 =	sld [smem:$0x3FA5]  }
0x30: {  	s3 =	sld [smem:$0x3FA8]  }
0x31: {  	[smem:$0x3FB1] =	sst s10  }
0x32: {  	s10 =	sld [smem:$0x3FAF];
	_ =	sdelay $0x3  }
0x33: {  	p0 =	seq.s32 s10, $0x1;
	s10 =	sld [smem:$0x3FB1];
	_ =	sdelay $0x3  }
0x34: {  	[smem:$0x3FB1] =	sst s10  }
0x35: {  	s10 =	sld [smem:$0x3FB0];
	_ =	sdelay $0x3  }
0x36: {  	p1 =	seq.s32 s10, $0x1;
	s10 =	sld [smem:$0x3FB1];
	_ =	sdelay $0x3  }
0x37: {  	[smem:$0x3FB1] =	sst s10  }
0x38: {  	s10 =	sld [smem:$0x3FB2]  }
0x39: {  	_ = 	snop;
	(pc) =	sbr.ind lr, $3  }
0x3a: {  	_ = 	snop  }
0x3b: {  	_ = 	snop  }
0x3c: {  	p2 =	seq.s32 s10, $0x1;
	s10 =	sld [smem:$0x3FB1]  }
0x3d: {  	_ =	shalt  }
0x3e: {  	_ =	shalt  }
0x3f: {  	_ =	shalt  }
0x40: {  	_ =	shalt  }
0x41: {  	_ =	shalt  }
0x42: {  	_ =	shalt  }
0x43: {  	_ =	shalt  }
0x44: {  	_ =	shalt  }
0x45: {  	_ =	shalt  }
0x46: {  	_ =	shalt  }
0x47: {  	_ =	shalt  }
0x48: {  	_ =	shalt  }
0x49: {  	_ =	shalt  }
0x4a: {  	_ =	shalt  }
0x4b: {  	_ =	shalt  }
0x4c: {  	_ =	shalt  }
0x4d: {  	_ =	shalt  }
0x4e: {  	_ =	shalt  }
0x4f: {  	_ =	shalt  }
0x50: {  	_ =	shalt  }
0x51: {  	_ =	shalt  }
0x52: {  	_ =	shalt  }
0x53: {  	_ =	shalt  }
0x54: {  	_ =	shalt  }
0x55: {  	_ =	shalt  }
0x56: {  	_ =	shalt  }
0x57: {  	_ =	shalt  }
0x58: {  	_ =	shalt  }
0x59: {  	_ =	shalt  }
0x5a: {  	_ =	shalt  }
0x5b: {  	_ =	shalt  }
0x5c: {  	_ =	shalt  }
0x5d: {  	_ =	shalt  }
0x5e: {  	_ =	shalt  }
0x5f: {  	_ =	shalt  }
0x60: {  	_ =	shalt  }
0x61: {  	_ =	shalt  }
0x62: {  	_ =	shalt  }
0x63: {  	_ =	shalt  }
0x64: {  	_ =	shalt  }
0x65: {  	_ =	shalt  }
0x66: {  	_ =	shalt  }
0x67: {  	_ =	shalt  }
0x68: {  	_ =	shalt  }
0x69: {  	_ =	shalt  }
0x6a: {  	_ =	shalt  }
0x6b: {  	_ =	shalt  }
0x6c: {  	_ =	shalt  }
0x6d: {  	_ =	shalt  }
0x6e: {  	_ =	shalt  }
0x6f: {  	_ =	shalt  }
0x70: {  	_ =	shalt  }
0x71: {  	_ =	shalt  }
0x72: {  	_ =	shalt  }
0x73: {  	_ =	shalt  }
0x74: {  	_ =	shalt  }
0x75: {  	_ =	shalt  }
0x76: {  	_ =	shalt  }
0x77: {  	_ =	shalt  }
0x78: {  	_ =	shalt  }
0x79: {  	_ =	shalt  }
0x7a: {  	_ =	shalt  }
0x7b: {  	_ =	shalt  }
0x7c: {  	_ =	shalt  }
0x7d: {  	_ =	shalt  }
0x7e: {  	_ =	shalt  }
0x7f: {  	_ =	shalt  }
0x80: {  	_ =	shalt  }
0x81: {  	_ =	shalt  }
0x82: {  	_ =	shalt  }
0x83: {  	_ =	shalt  }
0x84: {  	_ =	shalt  }
0x85: {  	_ =	shalt  }
0x86: {  	_ =	shalt  }
0x87: {  	_ =	shalt  }
.Lfunc_end0:
.L_simem_size_0:
called_computation.2_lowered:
.L_overlay_start_0:
0x88: {  	s2 =	sld [smem:$0x3FD9]  }
0x89: {  	s3 =	sld [smem:$0x3FFE];
	_ =	sdelay $0x1  }
0x8a: {  	s1 =	srdreg.scid  }
0x8b: {  	s0 =	sand.u32 $0x1, s1  }
0x8c: {  	s16 =	sshll.u32 s0, $0xA;
	s2 =	sadd.s32 s3, s2  }
0x8d: {  	s2 =	sadd.s32 s2, s16  }
0x8e: {  	[smem:$0x3FBD] =	sst s2  }
0x8f: {  	_ = 	snop  }
0x90: {  	(tm) =	ssettm $0x1  }
0x91: {  	s17 =	sld [smem:$0x3FFB];
	_ =	sdelay $0x3  }
0x92: {  	_ =	strace s17  }
0x93: {  	s2 =	sld [smem:$0x3FFC];
	_ =	sdelay $0x3  }
0x94: {  	_ =	strace s2  }
0x95: {  	s2 =	sld [smem:$0x3FFD];
	_ =	sdelay $0x3  }
0x96: {  	_ =	strace s2  }
0x97: {  	_ =	strace $0x8FFFFFFF  }
0x98: {  	s18 =	sld [smem:$0x3FDB];
	_ =	sdelay $0x1  }
0x99: {  	s19 =	simm.s32 $_scs_section_size  }
0x9a: {  	s4 =	simm.s32 $_size__tile_overlayer_lowered;
	s5 =	simm.s32 $_tile_overlayer_lowered  }
0x9b: {  	s22 =	simm.s32 $0x1BFF;
	s21 =	sshll.u32 s5, $0x1;
	s2 =	sadd.s32 s19, s18  }
0x9c: {  	s6 =	simm.s32 $0x0;
	s20 =	sshll.u32 s4, $0x1;
	s4 =	sadd.s32 s21, s2  }
0x9d: {  	[timem:s6], [sflag:s22] =	dma.local [hbm:s4], s20  }
0x9e: {  	_ =	swait.ge [sflag:s22], s20  }
0x9f: {  	s3 =	ssub.s32 $0x0, s20;
	[sflag:s22] =	ssyncset.done $0x0  }
0xa0: {  	[sflag:s22] =	ssyncadd.s32 s3;
	_ =	sdelay $0x1  }
0xa1: {  	s23 =	simm.s32 $0x1B8B  }
0xa2: {  	_ =	swait.ge [sflag:s23], $0x1  }
0xa3: {  	[sflag:s23] =	ssyncset.done $0x0  }
0xa4: {  	s25 =	simm.s32 $0x1B8E;
	s24 =	sld [smem:$0x3FFE];
	[sflag:s23] =	ssyncadd.s32 $0xFFFFFFFF  }
0xa5: {  	s26 =	simm.s32 $execute0_lowered;
	[smem:$0x3FD2] =	sst s25  }
0xa6: {  	s4 =	sshll.u32 s26, $0x1;
	_ =	strace $0x8000004C;
	[dreg:$0x1] =	wrdreg $0xFFFFFFFF  }
0xa7: {  	s28 =	simm.s32 $_size_execute0_lowered;
	s2 =	sadd.s32 s2, s4;
	[dreg:$0x0] =	wrdreg $0x0  }
0xa8: {  	s4 =	sshll.u32 s28, $0x1;
	[dreg:$0x2] =	wrdreg s2  }
0xa9: {  	[dreg:$0x3] =	wrdreg s4  }
0xaa: {  	[dreg:$0x4] =	wrdreg $0xC0  }
0xab: {  	_ =	task [dreg:s6], $0x5FFFF  }
0xac: {  	[dreg:$0x1] =	wrdreg $0xFFFFFFFF  }
0xad: {  	[dreg:$0x0] =	wrdreg $0x60  }
0xae: {  	[dreg:$0x2] =	wrdreg s24  }
0xaf: {  	[dreg:$0x3] =	wrdreg $0x82000  }
0xb0: {  	[dreg:$0x4] =	wrdreg $0x9  }
0xb1: {  	_ =	task.clear_ibuf [dreg:s6], $0x5FFFF;
	_ =	strace $0x9000004C  }
0xb2: {  	s29 =	simm.s32 $0x9;
	_ =	strace $0x8000004E  }
0xb3: {  	_ =	swait.ge [sflag:s29], $0x1  }
0xb4: {  	[sflag:s29] =	ssyncadd.s32 $0xFFFFFFFF  }
0xb5: {  	_ =	strace $0x9000004E  }
0xb6: {  	_ =	sfence  }
0xb7: {  	s30 =	sld [smem:$0x0];
	_ =	sdelay $0x2  }
0xb8: {  	s31 =	sshll.u32 s1, $0xD;
	s1 =	sshrl.u32 s1, $0x2  }
0xb9: {  	s3 =	sand.u32 $0x4000, s31;
	s1 =	sadd.s32 s1, s30  }
0xba: {  	s0 =	sor.u32 s3, s0;
	s1 =	sshll.u32 s1, $0x11  }
0xbb: {  	s0 =	sor.u32 s1, s0  }
0xbc: {  	s0 =	sadd.s32 $0x8F2B, s0  }
0xbd: {  	[sflag:s0] =	ssyncadd.remote.s32 $0x1  }
0xbe: {  	_ =	sfence.sel $0xFFFF  }
0xbf: {  	[dreg:$0x0] =	wrdreg $0xFFFFFFFF;
	(pc) =	sbr.abs _section_cstart, $3  }
0xc0: {  	[dreg:$0x1] =	wrdreg $0xFFFFFFFF  }
0xc1: {  	_ =	task.clear_ibuf [dreg:s6], $0x2FFFF;
	_ =	strace $0x9FFFFFFF  }
0xc2: {  	(tm) =	ssettm $0x7FFFFFFF  }
0xc3: {  	_ =	shalt  }
tec
execute0_lowered:
.L_overlay_start_1:
0x0: {  	(tag) =	ssettag $0x1  }
0x1: {  	s6 =	rddreg [dreg:$0x0]  }
0x2: {  	s2 =	rddreg [dreg:$0x1]  }
0x3: {  	s0 =	rddreg [dreg:$0x2];
	s3 =	simm.s32 $0x0;
	s1 =	stileid.u32  }
0x4: {  	s5 =	srdreg.scid;
	s20 =	simm.s32 $0x100;
	s21 =	simm.s32 $0x1  }
0x5: {  	s22 =	simm.s32 $0x4200;
	s23 =	simm.s32 $0x180;
	s7 =	smul.u32 $0x13C00, s1  }
0x6: {  	s24 =	simm.s32 $0x0;
	[smem:$0x7FF] =	sst s3;
	s11 =	smul.u32 $0x4F000, s1  }
0x7: {  	s4 =	sadd.s32 $0xA2E00, s6;
	s8 =	sand.u32 $0x1, s5;
	s12 =	smul.u32 $0x4F00, s1  }
0x8: {  	s5 =	sadd.s32 $0x8F000, s6;
	s13 =	sadd.s32 $0x85000, s6;
	s18 =	smul.u32 $0x9E0, s1  }
0x9: {  	s29 =	sshll.u32 s1, $0x6;
	_ =	strace $0x8000004D;
	s10 =	smul.u32 $0x13C000, s8  }
0xa: {  	s26 =	ssub.s32 $0x2, s8;
	s8 =	smul.u32 $0x4F000, s8;
	s9 =	sshrl.u32 s7, $0x3  }
0xb: {  	s14 =	sshrl.u32 s26, $0x1;
	s28 =	sshrl.u32 s11, $0x2;
	s30 =	sshrl.u32 s12, $0x3  }
0xc: {  	s9 =	sadd.s32 s9, s6;
	s7 =	sadd.s32 s7, s10;
	s14 =	ssub.s32 s26, s14  }
0xd: {  	s16 =	sadd.s32 s28, s2;
	s17 =	sadd.s32 s12, s8;
	s7 =	sshrl.u32 s7, $0x3  }
0xe: {  	s8 =	sshrl.u32 s17, $0x3;
	s19 =	sadd.s32 $0x180, s17;
	s12 =	smax.u32 s14, $0x1  }
0xf: {  	s16 =	sshrl.u32 s16, $0x3;
	s15 =	sadd.s32 s7, s6;
	s6 =	sadd.s32 $0xE000, s9  }
0x10: {  	s7 =	sor.u32 $0x1C02, s29;
	s8 =	sadd.s32 s5, s8;
	s9 =	sadd.s32 s13, s30  }
0x11: {  	s31 =	sshrl.u32 s19, $0x3;
	s13 =	sadd.s32 s18, s13;
	s18 =	simm.s32 $0x80  }
0x12: {  	s19 =	simm.s32 $0x200;
	s10 =	sadd.s32 $0x10, s8;
	s11 =	sadd.s32 $0xF1000, s15  }
0x13: {  	s14 =	sadd.s32 s31, s5;
	s15 =	sadd.s32 $0x100, s17;
	s17 =	simm.s32 $0x2  }
.LBB2_1:
0x14: {  	[spmem:s16], [sflag:s7] =	dma.local [hbm:s6], $0x2780  }
0x15: {  	_ =	swait.ge [sflag:s17], $0x2780  }
0x16: {  	[sflag:s17] =	ssyncset.done $0x0  }
0x17: {  	[sflag:s17] =	ssyncadd.s32 $0xFFFFD880  }
0x18: {  	[bflag:$0x0] =	sbarrier.arrive $0xFFFF  }
0x19: {  	[tilespmem:s3], [sflag:$0x2] =	stream.linear.gather [hbm4b:s8+s3], $0x80, $0x38;
	[tilespmem:$0x1BE00] =	vst v63  }
0x1a: {  	_ =	swait.ge [sflag:s17], $0x80  }
0x1b: {  	[sflag:s17] =	ssyncset.done $0x0  }
0x1c: {  	[sflag:s17] =	ssyncadd.s32 $0xFFFFFF80  }
0x1d: {  	[tilespmem:s19], [sflag:$0x1] =	stream.indirect.gather [hbm4b:s4+s18], $0x80, s3, s18, $0xb8;
	[tilespmem:$0x1BE00] =	vst v63  }
0x1e: {  	_ = 	snop  }
0x1f: {  	[tilespmem:s20], [sflag:$0x2] =	stream.linear.gather [hbm4b:s9+s3], $0x80, $0x38;
	[tilespmem:$0x1BE00] =	vst v63  }
0x20: {  	_ =	swait.ge [sflag:s17], $0x80  }
0x21: {  	[sflag:s17] =	ssyncset.done $0x0  }
0x22: {  	[sflag:s17] =	ssyncadd.s32 $0xFFFFFF80  }
0x23: {  	[tilespmem:s18], [sflag:$0x2] =	stream.linear.gather [hbm4b:s10+s3], $0x80, $0x38;
	[tilespmem:$0x1BE00] =	vst v63  }
0x24: {  	_ =	swait.ge [sflag:s17], $0x80  }
0x25: {  	[sflag:s17] =	ssyncset.done $0x0  }
0x26: {  	[sflag:s17] =	ssyncadd.s32 $0xFFFFFF80  }
0x27: {  	_ =	swait.ge [sflag:s21], $0x4000  }
0x28: {  	[sflag:s21] =	ssyncset.done $0x0  }
0x29: {  	[sflag:s21] =	ssyncadd.s32 $0xFFFFC000  }
0x2a: {  	[tilespmem:s22], [sflag:$0x1] =	stream.indirect.gather [hbm4b:s4+s18], $0x80, s18, s18, $0xb8;
	[tilespmem:$0x1BE00] =	vst v63  }
0x2b: {  	_ = 	snop  }
0x2c: {  	[spmem:s2] =	stream.indirect.scatter.add.f32 [tilespmem:s19], [sflag:$0x2], $0x80, s20, s18, $0xb8;
	[tilespmem:$0x1BE00] =	vst v63  }
0x2d: {  	_ =	swait.ge [sflag:s17], $0x4000  }
0x2e: {  	s25 =	sadd.s32 $0x0, s13;
	[sflag:s17] =	ssyncset.done $0x0  }
0x2f: {  	s26 =	sadd.s32 $0x10, s25;
	[sflag:s17] =	ssyncadd.s32 $0xFFFFC000  }
0x30: {  	[tilespmem:s23], [sflag:$0x2] =	stream.linear.gather [hbm4b:s26+s3], $0x80, $0x38;
	[tilespmem:$0x1BE00] =	vst v63  }
0x31: {  	_ =	swait.ge [sflag:s17], $0x80  }
0x32: {  	s30 =	sshrl.u32 s15, $0x3;
	[sflag:s17] =	ssyncset.done $0x0  }
0x33: {  	s26 =	sadd.s32 s5, s30;
	[sflag:s17] =	ssyncadd.s32 $0xFFFFFF80  }
0x34: {  	[tilespmem:s3], [sflag:$0x2] =	stream.linear.gather [hbm4b:s26+s3], $0x80, $0x38;
	[tilespmem:$0x1BE00] =	vst v63  }
0x35: {  	_ =	swait.ge [sflag:s17], $0x80  }
0x36: {  	[sflag:s17] =	ssyncset.done $0x0  }
0x37: {  	[sflag:s17] =	ssyncadd.s32 $0xFFFFFF80  }
0x38: {  	_ =	swait.ge [sflag:s21], $0x4000  }
0x39: {  	[sflag:s21] =	ssyncset.done $0x0  }
0x3a: {  	[sflag:s21] =	ssyncadd.s32 $0xFFFFC000  }
0x3b: {  	[tilespmem:s19], [sflag:$0x1] =	stream.indirect.gather [hbm4b:s4+s18], $0x80, s3, s18, $0xb8;
	[tilespmem:$0x1BE00] =	vst v63  }
0x3c: {  	_ = 	snop  }
0x3d: {  	[spmem:s2] =	stream.indirect.scatter.add.f32 [tilespmem:s22], [sflag:$0x2], $0x80, s23, s18, $0xb8;
	[tilespmem:$0x1BE00] =	vst v63  }
0x3e: {  	_ =	swait.ge [sflag:s17], $0x4000  }
0x3f: {  	[sflag:s17] =	ssyncset.done $0x0  }
0x40: {  	s25 =	sadd.s32 $0x20, s25;
	[sflag:s17] =	ssyncadd.s32 $0xFFFFC000  }
0x41: {  	[tilespmem:s20], [sflag:$0x2] =	stream.linear.gather [hbm4b:s25+s3], $0x80, $0x38;
	[tilespmem:$0x1BE00] =	vst v63  }
0x42: {  	_ =	swait.ge [sflag:s17], $0x80  }
0x43: {  	[sflag:s17] =	ssyncset.done $0x0  }
0x44: {  	s31 =	sadd.s32 $0x0, s14;
	[sflag:s17] =	ssyncadd.s32 $0xFFFFFF80  }
0x45: {  	[tilespmem:s18], [sflag:$0x2] =	stream.linear.gather [hbm4b:s31+s3], $0x80, $0x38;
	[tilespmem:$0x1BE00] =	vst v63  }
0x46: {  	_ =	swait.ge [sflag:s17], $0x80  }
0x47: {  	s26 =	smov.u32 s15;
	s25 =	simm.s32 $0x20;
	[sflag:s17] =	ssyncset.done $0x0  }
.LBB2_2:
0x48: {  	p0 =	sne.s32 s25, $0x9C0;
	[sflag:s17] =	ssyncadd.s32 $0xFFFFFF80;
	s26 =	sadd.s32 $0x100, s26  }
0x49: {  	s28 =	smov.u32 s25;
	s25 =	sadd.s32 $0x20, s25;
	_ =	swait.ge [sflag:s21], $0x4000  }
0x4a: {  	[sflag:s21] =	ssyncset.done $0x0  }
0x4b: {  	[sflag:s21] =	ssyncadd.s32 $0xFFFFC000  }
0x4c: {  	[tilespmem:s22], [sflag:$0x1] =	stream.indirect.gather [hbm4b:s4+s18], $0x80, s18, s18, $0xb8;
	[tilespmem:$0x1BE00] =	vst v63  }
0x4d: {  	_ = 	snop  }
0x4e: {  	[spmem:s2] =	stream.indirect.scatter.add.f32 [tilespmem:s19], [sflag:$0x2], $0x80, s20, s18, $0xb8;
	[tilespmem:$0x1BE00] =	vst v63  }
0x4f: {  	_ =	swait.ge [sflag:s17], $0x4000  }
0x50: {  	s29 =	sadd.s32 s28, s13;
	[sflag:s17] =	ssyncset.done $0x0  }
0x51: {  	s30 =	sadd.s32 $0x10, s29;
	[sflag:s17] =	ssyncadd.s32 $0xFFFFC000  }
0x52: {  	[tilespmem:s23], [sflag:$0x2] =	stream.linear.gather [hbm4b:s30+s3], $0x80, $0x38;
	[tilespmem:$0x1BE00] =	vst v63  }
0x53: {  	_ =	swait.ge [sflag:s17], $0x80  }
0x54: {  	s30 =	sshrl.u32 s26, $0x3;
	[sflag:s17] =	ssyncset.done $0x0  }
0x55: {  	s30 =	sadd.s32 s5, s30;
	[sflag:s17] =	ssyncadd.s32 $0xFFFFFF80  }
0x56: {  	[tilespmem:s3], [sflag:$0x2] =	stream.linear.gather [hbm4b:s30+s3], $0x80, $0x38;
	[tilespmem:$0x1BE00] =	vst v63  }
0x57: {  	_ =	swait.ge [sflag:s17], $0x80  }
0x58: {  	[sflag:s17] =	ssyncset.done $0x0  }
0x59: {  	[sflag:s17] =	ssyncadd.s32 $0xFFFFFF80  }
0x5a: {  	_ =	swait.ge [sflag:s21], $0x4000  }
0x5b: {  	[sflag:s21] =	ssyncset.done $0x0  }
0x5c: {  	[sflag:s21] =	ssyncadd.s32 $0xFFFFC000  }
0x5d: {  	[tilespmem:s19], [sflag:$0x1] =	stream.indirect.gather [hbm4b:s4+s18], $0x80, s3, s18, $0xb8;
	[tilespmem:$0x1BE00] =	vst v63  }
0x5e: {  	_ = 	snop  }
0x5f: {  	[spmem:s2] =	stream.indirect.scatter.add.f32 [tilespmem:s22], [sflag:$0x2], $0x80, s23, s18, $0xb8;
	[tilespmem:$0x1BE00] =	vst v63  }
0x60: {  	_ =	swait.ge [sflag:s17], $0x4000  }
0x61: {  	[sflag:s17] =	ssyncset.done $0x0  }
0x62: {  	s29 =	sadd.s32 $0x20, s29;
	[sflag:s17] =	ssyncadd.s32 $0xFFFFC000  }
0x63: {  	[tilespmem:s20], [sflag:$0x2] =	stream.linear.gather [hbm4b:s29+s3], $0x80, $0x38;
	[tilespmem:$0x1BE00] =	vst v63  }
0x64: {  	_ =	swait.ge [sflag:s17], $0x80  }
.Ltmp0:
0x65: {  	[sflag:s17] =	ssyncset.done $0x0;
	(pc) =	sbr.rel @p0 .LBB2_2-.Ltmp0, $4  }
0x66: {  	s28 =	sadd.s32 s28, s14;
	[sflag:s17] =	ssyncadd.s32 $0xFFFFFF80  }
0x67: {  	[tilespmem:s18], [sflag:$0x2] =	stream.linear.gather [hbm4b:s28+s3], $0x80, $0x38;
	[tilespmem:$0x1BE00] =	vst v63  }
0x68: {  	_ =	swait.ge [sflag:s17], $0x80  }
0x69: {  	[sflag:s17] =	ssyncset.done $0x0  }
0x6a: {  	[sflag:s17] =	ssyncadd.s32 $0xFFFFFF80  }
0x6b: {  	_ =	swait.ge [sflag:s21], $0x4000  }
0x6c: {  	s24 =	sadd.s32 $0x1, s24;
	[sflag:s21] =	ssyncset.done $0x0  }
0x6d: {  	p0 =	sne.s32 s24, s12;
	[sflag:s21] =	ssyncadd.s32 $0xFFFFC000  }
.Ltmp1:
0x6e: {  	[bflag:$0x0] =	sbarrier.arrive $0xFFFF;
	(pc) =	sbr.rel @p0 .LBB2_1-.Ltmp1, $4  }
0x6f: {  	[hbm:s11], [sflag:s7] =	dma.local [spmem:s16], $0x2780  }
0x70: {  	_ =	swait.ge [sflag:s17], $0x2780  }
0x71: {  	[sflag:s17] =	ssyncset.done $0x0  }
0x72: {  	[sflag:s17] =	ssyncadd.s32 $0xFFFFD880  }
0x73: {  	_ =	sfence.sel $0x180000  }
0x74: {  	[bflag:$0x0] =	sbarrier.arrive $0xFFFF  }
0x75: {  	p0 =	sne.s32 s1, $0x0;
	_ =	strace $0x9000004D  }
0x76: {  	s0 =	sadd.s32 @!p0 $0x100000, s0;
	[bflag:$0x2] =	sbarrier.arrive $0xFFFF  }
0x77: {  	[sflag:s0] =	ssyncadd.tile.s32 @!p0 $0x1;
	_ =	shalt  }
.Lfunc_end2:
_tile_overlayer_lowered:
.L_overlay_start_2:
0x78: {  	(tag) =	ssettag $0x2  }
0x79: {  	s0 =	rddreg [dreg:$0x0];
	s2 =	stileid.u32  }
0x7a: {  	s1 =	rddreg [dreg:$0x1];
	p0 =	sne.s32 s2, $0x0  }
0x7b: {  	s3 =	rddreg [dreg:$0x2];
	[bflag:$0x3] =	sbarrier.arrive $0xFFFF;
	s2 =	simm.s32 @!p0 $0x1C02  }
0x7c: {  	[timem:s3], [sflag:s2] =	dma.local @!p0 [hbm:s0], s1  }
0x7d: {  	s0 =	simm.s32 @!p0 $0x2  }
0x7e: {  	_ =	swait.ge @!p0 [sflag:s0], s1  }
0x7f: {  	s1 =	ssub.s32 @!p0 $0x0, s1;
	[sflag:s0] =	ssyncset.done @!p0 $0x0  }
0x80: {  	[sflag:s0] =	ssyncadd.s32 @!p0 s1  }
0x81: {  	[bflag:$0x3] =	sbarrier.arrive $0xFFFF  }
0x82: {  	_ =	shalt  }

</sc_bundles>
